<compile_context>
chip_gen: v7x
topology: tpu7x:2x2x1
jax: 0.10.2.dev20260603
libtpu: 0.0.44.dev20260713+nightly
codegen_flags: <defaults>
</compile_context>

<pallas_src>
import functools

import jax
import jax.numpy as jnp
from jax import lax
from jax.experimental import pallas as pl
from jax.experimental.pallas import tpu as pltpu
from jax.experimental.pallas import tpu_sc as plsc

_B, _K, _N, _T, _M = 4, 4, 1024, 16, 5
_TM = _T * _M
_BT = _B * _T
_HS = 512
_LO = _N - _HS
_NW = 32
_RW = _HS // _NW
_CH = 256
_NCH = _LO // _CH



@functools.partial(
    pl.kernel,
    out_type=jax.ShapeDtypeStruct((_HS, _N), jnp.float32),
    mesh=plsc.VectorSubcoreMesh(core_axis_name="c", subcore_axis_name="s"),
    scratch_types=[pltpu.VMEM((_RW, _N), jnp.float32),
                   pltpu.VMEM((_RW, _N), jnp.float32),
                   pltpu.VMEM((_RW, _N), jnp.float32),
                   pltpu.VMEM((_RW, _N), jnp.float32),
                   pltpu.SemaphoreType.DMA],
)
def _sc_ksum(l_hbm, out_hbm, b0, b1, b2, b3, sem):
    wid = lax.axis_index("s") * 2 + lax.axis_index("c")
    base = _LO + wid * _RW
    bufs = (b0, b1, b2, b3)
    for k in range(_K):
        pltpu.make_async_copy(l_hbm.at[k, pl.ds(base, _RW), :], bufs[k],
                              sem).start()
    for k in range(_K):
        pltpu.make_async_copy(l_hbm.at[k, pl.ds(base, _RW), :], bufs[k],
                              sem).wait()

    def _chunk(c, _):
        sl = pl.ds(c * 16, 16)
        for r in range(_RW):
            b0[r, sl] = ((b0[r, sl] + b1[r, sl])
                         + (b2[r, sl] + b3[r, sl]))
        return _

    lax.fori_loop(0, _N // 16, _chunk, None)
    pltpu.sync_copy(b0, out_hbm.at[pl.ds(wid * _RW, _RW), :])



def _fold_weights(w1_ref, b1_ref, w2_ref, b2_ref):
    w1c = w1_ref[...].reshape(_TM, _M, _T).sum(axis=1)
    vt = jax.lax.dot_general(w1c, w2_ref[...],
                             (((0,), (1,)), ((), ())),
                             preferred_element_type=jnp.float32)
    beff = jax.lax.dot_general(b1_ref[...], w2_ref[...],
                               (((1,), (1,)), ((), ())),
                               preferred_element_type=jnp.float32)
    vb = jnp.tile(beff + b2_ref[...], (1, _B))
    return vt, vb


def _compute_z(x_ref, vt):
    return jnp.concatenate(
        [jnp.dot(x_ref[b, 0], vt, preferred_element_type=jnp.float32)
         for b in range(_B)], axis=1)



def _tc_low_kernel(l_hbm, x_ref, w1_ref, b1_ref, w2_ref, b2_ref,
                   out_ref, lbuf, z_ref, sem):
    for c in range(_NCH):
        pltpu.make_async_copy(
            l_hbm.at[:, pl.ds(c * _CH, _CH), :],
            lbuf.at[:, pl.ds(c * _CH, _CH), :],
            sem.at[c]).start()

    vt, vb = _fold_weights(w1_ref, b1_ref, w2_ref, b2_ref)
    z_ref[...] = _compute_z(x_ref, vt)

    for c in range(_NCH):
        pltpu.make_async_copy(
            l_hbm.at[:, pl.ds(c * _CH, _CH), :],
            lbuf.at[:, pl.ds(c * _CH, _CH), :],
            sem.at[c]).wait()
        rows = pl.ds(c * _CH, _CH)
        lsum = ((lbuf[0, rows, :] + lbuf[1, rows, :])
                + (lbuf[2, rows, :] + lbuf[3, rows, :]))
        acc = jnp.dot(lsum, z_ref[...],
                      preferred_element_type=jnp.float32) + vb
        for b in range(_B):
            out_ref[b, rows, :] = acc[:, b * _T:(b + 1) * _T]



def _tc_high_kernel(y_ref, lh_ref, x_ref, w1_ref, b1_ref, w2_ref, b2_ref,
                    out_ref, z_ref):
    out_ref[...] = y_ref[...]
    vt, vb = _fold_weights(w1_ref, b1_ref, w2_ref, b2_ref)
    z_ref[...] = _compute_z(x_ref, vt)
    acc = jnp.dot(lh_ref[...], z_ref[...],
                  preferred_element_type=jnp.float32) + vb
    for b in range(_B):
        out_ref[b, _LO:, :] = acc[:, b * _T:(b + 1) * _T]


def kernel(x, mul_L, W1, b1, W2, b2):
    b1r = b1.reshape(1, _TM)
    b2r = b2.reshape(1, _T)

    lsum_hi = _sc_ksum(mul_L)

    y_partial = pl.pallas_call(
        _tc_low_kernel,
        in_specs=[
            pl.BlockSpec(memory_space=pltpu.HBM),
            pl.BlockSpec((_B, 1, _N, _T), lambda: (0, 0, 0, 0)),
            pl.BlockSpec((_TM, _TM), lambda: (0, 0)),
            pl.BlockSpec((1, _TM), lambda: (0, 0)),
            pl.BlockSpec((_T, _TM), lambda: (0, 0)),
            pl.BlockSpec((1, _T), lambda: (0, 0)),
        ],
        out_specs=pl.BlockSpec((_B, _N, _T), lambda: (0, 0, 0)),
        out_shape=jax.ShapeDtypeStruct((_B, _N, _T), jnp.float32),
        scratch_shapes=[pltpu.VMEM((_K, _LO, _N), jnp.float32),
                        pltpu.VMEM((_N, _BT), jnp.float32),
                        pltpu.SemaphoreType.DMA((_NCH,))],
        compiler_params=pltpu.CompilerParams(
            vmem_limit_bytes=50 * 1024 * 1024),
    )(mul_L, x, W1, b1r, W2, b2r)

    return pl.pallas_call(
        _tc_high_kernel,
        in_specs=[
            pl.BlockSpec((_B, _N, _T), lambda: (0, 0, 0)),
            pl.BlockSpec((_HS, _N), lambda: (0, 0)),
            pl.BlockSpec((_B, 1, _N, _T), lambda: (0, 0, 0, 0)),
            pl.BlockSpec((_TM, _TM), lambda: (0, 0)),
            pl.BlockSpec((1, _TM), lambda: (0, 0)),
            pl.BlockSpec((_T, _TM), lambda: (0, 0)),
            pl.BlockSpec((1, _T), lambda: (0, 0)),
        ],
        out_specs=pl.BlockSpec((_B, _N, _T), lambda: (0, 0, 0)),
        out_shape=jax.ShapeDtypeStruct((_B, _N, _T), jnp.float32),
        scratch_shapes=[pltpu.VMEM((_N, _BT), jnp.float32)],
        input_output_aliases={0: 0},
        compiler_params=pltpu.CompilerParams(
            vmem_limit_bytes=50 * 1024 * 1024),
    )(y_partial, lsum_hi, x, W1, b1r, W2, b2r)

# --- scband reference (transcript-rebuilt; emitter-appended) ---
"""Pipeline reference for scband-model-45251775430770 (READ-ONLY COPY).

The authoritative reference and input builder live on the scoring server;
editing this copy changes nothing except your own understanding.
"""

import jax, jax.numpy as jnp
import numpy as np

B, K, N, T, M = 4, 4, 1024, 16, 5

def setup_inputs(seed: int = 0) -> dict:
    key = jax.random.key(seed)
    ks = jax.random.split(key, 6)
    x = jax.random.normal(ks[0], (B, 1, N, T), dtype=jnp.float32)
    mul_L = jax.random.normal(ks[1], (K, N, N), dtype=jnp.float32)
    # learned params of multiDomainSeqLayer: processing1 Linear(T*M, T*M), processing2 Linear(T*M, T)
    W1 = jax.random.normal(ks[2], (T * M, T * M), dtype=jnp.float32) * 0.02
    b1 = jnp.zeros((T * M,), dtype=jnp.float32)
    W2 = jax.random.normal(ks[3], (T, T * M), dtype=jnp.float32) * 0.02
    b2 = jnp.zeros((T,), dtype=jnp.float32)
    return {"x": x, "mul_L": mul_L, "W1": W1, "b1": b1, "W2": W2, "b2": b2}

def reference(x, mul_L, W1, b1, W2, b2):
    # multiDomainSeqLayer.forward
    mul_Le = mul_L[:, None, :, :]            # [K,1,N,N]  (mul_L.unsqueeze(1))
    xe = x[:, None, :, :, :]                 # [B,1,1,N,T] (x.unsqueeze(1))
    spectralSeq = jnp.matmul(mul_Le, xe)     # broadcast -> [B,K,1,N,T]
    HightSpectralSeq = jnp.tile(spectralSeq, (1, 1, 1, 1, 5))  # repeat last dim x5 -> [B,K,1,N,5T]
    HightSpectralSeq = jnp.sum(HightSpectralSeq, axis=1)       # [B,1,N,5T]
    BindingSiteSeq0 = jnp.matmul(HightSpectralSeq, W1.T) + b1  # processing1
    BindingSiteSeq0 = jnp.squeeze(BindingSiteSeq0, axis=1)     # [B,N,5T]
    BindingSiteSeq = jnp.matmul(BindingSiteSeq0, W2.T) + b2    # processing2 -> [B,N,T]
    return BindingSiteSeq

if __name__ == "__main__":
    import jax
    _d = setup_inputs()
    print(jax.jit(kernel)(*tuple(_d.values())))

</pallas_src>

<mosaic_0001>
#map = affine_map<(d0, d1) -> (0, 0, 0)>
#map1 = affine_map<(d0, d1) -> (0, 0)>
module attributes {stable_mosaic.version = 14 : i64} {
  func.func @_sc_ksum(%arg0: i32, %arg1: i32, %arg2: memref<4x1024x1024xf32, #tpu.memory_space<hbm>>, %arg3: memref<512x1024xf32, #tpu.memory_space<hbm>>, %arg4: memref<16x1024xf32, #tpu.memory_space<vmem>>, %arg5: memref<16x1024xf32, #tpu.memory_space<vmem>>, %arg6: memref<16x1024xf32, #tpu.memory_space<vmem>>, %arg7: memref<16x1024xf32, #tpu.memory_space<vmem>>, %arg8: memref<!tpu.dma_semaphore, #tpu.memory_space<semaphore_mem>>) attributes {dimension_semantics = [#tpu.dimension_semantics<core_parallel>, #tpu.dimension_semantics<subcore_parallel>], iteration_bounds = array<i64: 2, 16>, scalar_prefetch = 0 : i64, scratch_operands = 5 : i64, tpu.core_type = #tpu.core_type<sc_vector_subcore>, window_params = [{transform_indices = #map}, {transform_indices = #map1}]} {
    %mul3A = arith.constant 2 : i32
    %mul3A_0 = arith.muli %arg1, %mul3A : i32
    %add3A = arith.addi %mul3A_0, %arg0 : i32
    %mul3A_1 = arith.constant 16 : i32
    %mul3A_2 = arith.muli %add3A, %mul3A_1 : i32
    %add3A_3 = arith.constant 512 : i32
    %add3A_4 = arith.addi %add3A_3, %mul3A_2 : i32
    %dma_start3A = arith.constant 0 : i32
    %dma_start3A_5 = arith.constant 0 : i32
    %dma_start3A_6 = tpu.memref_slice %arg2[%dma_start3A, %add3A_4, %dma_start3A_5] : memref<4x1024x1024xf32, #tpu.memory_space<hbm>> -> memref<1x16x1024xf32, #tpu.memory_space<hbm>>
    %dma_start3A_7 = tpu.memref_squeeze %dma_start3A_6 : memref<1x16x1024xf32, #tpu.memory_space<hbm>> -> memref<16x1024xf32, #tpu.memory_space<hbm>>
    %dma_start3A_8 = arith.constant 0 : i32
    %dma_start3A_9 = tpu.memref_slice %arg2[%dma_start3A, %add3A_4, %dma_start3A_8] : memref<4x1024x1024xf32, #tpu.memory_space<hbm>> -> memref<1x16x1024xf32, #tpu.memory_space<hbm>>
    %dma_start3A_10 = tpu.memref_squeeze %dma_start3A_9 : memref<1x16x1024xf32, #tpu.memory_space<hbm>> -> memref<16x1024xf32, #tpu.memory_space<hbm>>
    tpu.enqueue_dma source(%dma_start3A_10 : memref<16x1024xf32, #tpu.memory_space<hbm>>) target(%arg4 : memref<16x1024xf32, #tpu.memory_space<vmem>>) target_semaphore(%arg8 : memref<!tpu.dma_semaphore, #tpu.memory_space<semaphore_mem>>)
    %dma_start3A_11 = arith.constant 1 : i32
    %dma_start3A_12 = arith.constant 0 : i32
    %dma_start3A_13 = tpu.memref_slice %arg2[%dma_start3A_11, %add3A_4, %dma_start3A_12] : memref<4x1024x1024xf32, #tpu.memory_space<hbm>> -> memref<1x16x1024xf32, #tpu.memory_space<hbm>>
    %dma_start3A_14 = tpu.memref_squeeze %dma_start3A_13 : memref<1x16x1024xf32, #tpu.memory_space<hbm>> -> memref<16x1024xf32, #tpu.memory_space<hbm>>
    %dma_start3A_15 = arith.constant 0 : i32
    %dma_start3A_16 = tpu.memref_slice %arg2[%dma_start3A_11, %add3A_4, %dma_start3A_15] : memref<4x1024x1024xf32, #tpu.memory_space<hbm>> -> memref<1x16x1024xf32, #tpu.memory_space<hbm>>
    %dma_start3A_17 = tpu.memref_squeeze %dma_start3A_16 : memref<1x16x1024xf32, #tpu.memory_space<hbm>> -> memref<16x1024xf32, #tpu.memory_space<hbm>>
    tpu.enqueue_dma source(%dma_start3A_17 : memref<16x1024xf32, #tpu.memory_space<hbm>>) target(%arg5 : memref<16x1024xf32, #tpu.memory_space<vmem>>) target_semaphore(%arg8 : memref<!tpu.dma_semaphore, #tpu.memory_space<semaphore_mem>>)
    %dma_start3A_18 = arith.constant 2 : i32
    %dma_start3A_19 = arith.constant 0 : i32
    %dma_start3A_20 = tpu.memref_slice %arg2[%dma_start3A_18, %add3A_4, %dma_start3A_19] : memref<4x1024x1024xf32, #tpu.memory_space<hbm>> -> memref<1x16x1024xf32, #tpu.memory_space<hbm>>
    %dma_start3A_21 = tpu.memref_squeeze %dma_start3A_20 : memref<1x16x1024xf32, #tpu.memory_space<hbm>> -> memref<16x1024xf32, #tpu.memory_space<hbm>>
    %dma_start3A_22 = arith.constant 0 : i32
    %dma_start3A_23 = tpu.memref_slice %arg2[%dma_start3A_18, %add3A_4, %dma_start3A_22] : memref<4x1024x1024xf32, #tpu.memory_space<hbm>> -> memref<1x16x1024xf32, #tpu.memory_space<hbm>>
    %dma_start3A_24 = tpu.memref_squeeze %dma_start3A_23 : memref<1x16x1024xf32, #tpu.memory_space<hbm>> -> memref<16x1024xf32, #tpu.memory_space<hbm>>
    tpu.enqueue_dma source(%dma_start3A_24 : memref<16x1024xf32, #tpu.memory_space<hbm>>) target(%arg6 : memref<16x1024xf32, #tpu.memory_space<vmem>>) target_semaphore(%arg8 : memref<!tpu.dma_semaphore, #tpu.memory_space<semaphore_mem>>)
    %dma_start3A_25 = arith.constant 3 : i32
    %dma_start3A_26 = arith.constant 0 : i32
    %dma_start3A_27 = tpu.memref_slice %arg2[%dma_start3A_25, %add3A_4, %dma_start3A_26] : memref<4x1024x1024xf32, #tpu.memory_space<hbm>> -> memref<1x16x1024xf32, #tpu.memory_space<hbm>>
    %dma_start3A_28 = tpu.memref_squeeze %dma_start3A_27 : memref<1x16x1024xf32, #tpu.memory_space<hbm>> -> memref<16x1024xf32, #tpu.memory_space<hbm>>
    %dma_start3A_29 = arith.constant 0 : i32
    %dma_start3A_30 = tpu.memref_slice %arg2[%dma_start3A_25, %add3A_4, %dma_start3A_29] : memref<4x1024x1024xf32, #tpu.memory_space<hbm>> -> memref<1x16x1024xf32, #tpu.memory_space<hbm>>
    %dma_start3A_31 = tpu.memref_squeeze %dma_start3A_30 : memref<1x16x1024xf32, #tpu.memory_space<hbm>> -> memref<16x1024xf32, #tpu.memory_space<hbm>>
    tpu.enqueue_dma source(%dma_start3A_31 : memref<16x1024xf32, #tpu.memory_space<hbm>>) target(%arg7 : memref<16x1024xf32, #tpu.memory_space<vmem>>) target_semaphore(%arg8 : memref<!tpu.dma_semaphore, #tpu.memory_space<semaphore_mem>>)
    %dma_wait3A = arith.constant 0 : i32
    %dma_wait3A_32 = arith.constant 0 : i32
    %dma_wait3A_33 = tpu.memref_slice %arg2[%dma_wait3A, %add3A_4, %dma_wait3A_32] : memref<4x1024x1024xf32, #tpu.memory_space<hbm>> -> memref<1x16x1024xf32, #tpu.memory_space<hbm>>
    %dma_wait3A_34 = tpu.memref_squeeze %dma_wait3A_33 : memref<1x16x1024xf32, #tpu.memory_space<hbm>> -> memref<16x1024xf32, #tpu.memory_space<hbm>>
    %dma_wait3A_35 = arith.constant 0 : i32
    %dma_wait3A_36 = tpu.memref_slice %arg2[%dma_wait3A, %add3A_4, %dma_wait3A_35] : memref<4x1024x1024xf32, #tpu.memory_space<hbm>> -> memref<1x16x1024xf32, #tpu.memory_space<hbm>>
    %dma_wait3A_37 = tpu.memref_squeeze %dma_wait3A_36 : memref<1x16x1024xf32, #tpu.memory_space<hbm>> -> memref<16x1024xf32, #tpu.memory_space<hbm>>
    tpu.wait_dma2 semaphore(%arg8 : memref<!tpu.dma_semaphore, #tpu.memory_space<semaphore_mem>>) src(%dma_wait3A_37 : memref<16x1024xf32, #tpu.memory_space<hbm>>) dst(%arg4 : memref<16x1024xf32, #tpu.memory_space<vmem>>)
    %dma_wait3A_38 = arith.constant 1 : i32
    %dma_wait3A_39 = arith.constant 0 : i32
    %dma_wait3A_40 = tpu.memref_slice %arg2[%dma_wait3A_38, %add3A_4, %dma_wait3A_39] : memref<4x1024x1024xf32, #tpu.memory_space<hbm>> -> memref<1x16x1024xf32, #tpu.memory_space<hbm>>
    %dma_wait3A_41 = tpu.memref_squeeze %dma_wait3A_40 : memref<1x16x1024xf32, #tpu.memory_space<hbm>> -> memref<16x1024xf32, #tpu.memory_space<hbm>>
    %dma_wait3A_42 = arith.constant 0 : i32
    %dma_wait3A_43 = tpu.memref_slice %arg2[%dma_wait3A_38, %add3A_4, %dma_wait3A_42] : memref<4x1024x1024xf32, #tpu.memory_space<hbm>> -> memref<1x16x1024xf32, #tpu.memory_space<hbm>>
    %dma_wait3A_44 = tpu.memref_squeeze %dma_wait3A_43 : memref<1x16x1024xf32, #tpu.memory_space<hbm>> -> memref<16x1024xf32, #tpu.memory_space<hbm>>
    tpu.wait_dma2 semaphore(%arg8 : memref<!tpu.dma_semaphore, #tpu.memory_space<semaphore_mem>>) src(%dma_wait3A_44 : memref<16x1024xf32, #tpu.memory_space<hbm>>) dst(%arg5 : memref<16x1024xf32, #tpu.memory_space<vmem>>)
    %dma_wait3A_45 = arith.constant 2 : i32
    %dma_wait3A_46 = arith.constant 0 : i32
    %dma_wait3A_47 = tpu.memref_slice %arg2[%dma_wait3A_45, %add3A_4, %dma_wait3A_46] : memref<4x1024x1024xf32, #tpu.memory_space<hbm>> -> memref<1x16x1024xf32, #tpu.memory_space<hbm>>
    %dma_wait3A_48 = tpu.memref_squeeze %dma_wait3A_47 : memref<1x16x1024xf32, #tpu.memory_space<hbm>> -> memref<16x1024xf32, #tpu.memory_space<hbm>>
    %dma_wait3A_49 = arith.constant 0 : i32
    %dma_wait3A_50 = tpu.memref_slice %arg2[%dma_wait3A_45, %add3A_4, %dma_wait3A_49] : memref<4x1024x1024xf32, #tpu.memory_space<hbm>> -> memref<1x16x1024xf32, #tpu.memory_space<hbm>>
    %dma_wait3A_51 = tpu.memref_squeeze %dma_wait3A_50 : memref<1x16x1024xf32, #tpu.memory_space<hbm>> -> memref<16x1024xf32, #tpu.memory_space<hbm>>
    tpu.wait_dma2 semaphore(%arg8 : memref<!tpu.dma_semaphore, #tpu.memory_space<semaphore_mem>>) src(%dma_wait3A_51 : memref<16x1024xf32, #tpu.memory_space<hbm>>) dst(%arg6 : memref<16x1024xf32, #tpu.memory_space<vmem>>)
    %dma_wait3A_52 = arith.constant 3 : i32
    %dma_wait3A_53 = arith.constant 0 : i32
    %dma_wait3A_54 = tpu.memref_slice %arg2[%dma_wait3A_52, %add3A_4, %dma_wait3A_53] : memref<4x1024x1024xf32, #tpu.memory_space<hbm>> -> memref<1x16x1024xf32, #tpu.memory_space<hbm>>
    %dma_wait3A_55 = tpu.memref_squeeze %dma_wait3A_54 : memref<1x16x1024xf32, #tpu.memory_space<hbm>> -> memref<16x1024xf32, #tpu.memory_space<hbm>>
    %dma_wait3A_56 = arith.constant 0 : i32
    %dma_wait3A_57 = tpu.memref_slice %arg2[%dma_wait3A_52, %add3A_4, %dma_wait3A_56] : memref<4x1024x1024xf32, #tpu.memory_space<hbm>> -> memref<1x16x1024xf32, #tpu.memory_space<hbm>>
    %dma_wait3A_58 = tpu.memref_squeeze %dma_wait3A_57 : memref<1x16x1024xf32, #tpu.memory_space<hbm>> -> memref<16x1024xf32, #tpu.memory_space<hbm>>
    tpu.wait_dma2 semaphore(%arg8 : memref<!tpu.dma_semaphore, #tpu.memory_space<semaphore_mem>>) src(%dma_wait3A_58 : memref<16x1024xf32, #tpu.memory_space<hbm>>) dst(%arg7 : memref<16x1024xf32, #tpu.memory_space<vmem>>)
    %scan3A = arith.constant 0 : i32
    %scan3A_59 = arith.constant 64 : i32
    %scan3A_60 = arith.addi %scan3A, %scan3A_59 : i32
    %scan3A_61 = arith.constant 1 : i32
    scf.for %scan3A_65 = %scan3A to %scan3A_60 step %scan3A_61  : i32 {
      %mul3A_66 = arith.constant 16 : i32
      %mul3A_67 = arith.muli %scan3A_65, %mul3A_66 : i32
      %get3A = arith.constant 0 : i32
      %get3A_68 = arith.index_cast %get3A : i32 to index
      %get3A_69 = arith.index_cast %mul3A_67 : i32 to index
      %get3A_70 = tpu.vector_load %arg4[%get3A_68, %get3A_69] {strides = array<i32>} : memref<16x1024xf32, #tpu.memory_space<vmem>>, vector<1x16xf32>,
      %get3A_71 = vector.shape_cast %get3A_70 : vector<1x16xf32> to vector<16xf32>
      %get3A_72 = arith.constant 0 : i32
      %get3A_73 = arith.index_cast %get3A_72 : i32 to index
      %get3A_74 = arith.index_cast %mul3A_67 : i32 to index
      %get3A_75 = tpu.vector_load %arg5[%get3A_73, %get3A_74] {strides = array<i32>} : memref<16x1024xf32, #tpu.memory_space<vmem>>, vector<1x16xf32>,
      %get3A_76 = vector.shape_cast %get3A_75 : vector<1x16xf32> to vector<16xf32>
      %add3A_77 = arith.addf %get3A_71, %get3A_76 : vector<16xf32>
      %get3A_78 = arith.constant 0 : i32
      %get3A_79 = arith.index_cast %get3A_78 : i32 to index
      %get3A_80 = arith.index_cast %mul3A_67 : i32 to index
      %get3A_81 = tpu.vector_load %arg6[%get3A_79, %get3A_80] {strides = array<i32>} : memref<16x1024xf32, #tpu.memory_space<vmem>>, vector<1x16xf32>,
      %get3A_82 = vector.shape_cast %get3A_81 : vector<1x16xf32> to vector<16xf32>
      %get3A_83 = arith.constant 0 : i32
      %get3A_84 = arith.index_cast %get3A_83 : i32 to index
      %get3A_85 = arith.index_cast %mul3A_67 : i32 to index
      %get3A_86 = tpu.vector_load %arg7[%get3A_84, %get3A_85] {strides = array<i32>} : memref<16x1024xf32, #tpu.memory_space<vmem>>, vector<1x16xf32>,
      %get3A_87 = vector.shape_cast %get3A_86 : vector<1x16xf32> to vector<16xf32>
      %add3A_88 = arith.addf %get3A_82, %get3A_87 : vector<16xf32>
      %add3A_89 = arith.addf %add3A_77, %add3A_88 : vector<16xf32>
      %swap3A = arith.constant 0 : i32
      %swap3A_90 = arith.index_cast %swap3A : i32 to index
      %swap3A_91 = arith.index_cast %mul3A_67 : i32 to index
      %swap3A_92 = tpu.vector_load %arg4[%swap3A_90, %swap3A_91] {strides = array<i32>} : memref<16x1024xf32, #tpu.memory_space<vmem>>, vector<1x16xf32>,
      %swap3A_93 = vector.shape_cast %swap3A_92 : vector<1x16xf32> to vector<16xf32>
      %swap3A_94 = vector.shape_cast %add3A_89 : vector<16xf32> to vector<1x16xf32>
      tpu.vector_store %arg4[%swap3A_90, %swap3A_91], %swap3A_94 {strides = array<i32>} : memref<16x1024xf32, #tpu.memory_space<vmem>>, vector<1x16xf32>,
      %get3A_95 = arith.constant 1 : i32
      %get3A_96 = arith.index_cast %get3A_95 : i32 to index
      %get3A_97 = arith.index_cast %mul3A_67 : i32 to index
      %get3A_98 = tpu.vector_load %arg4[%get3A_96, %get3A_97] {strides = array<i32>} : memref<16x1024xf32, #tpu.memory_space<vmem>>, vector<1x16xf32>,
      %get3A_99 = vector.shape_cast %get3A_98 : vector<1x16xf32> to vector<16xf32>
      %get3A_100 = arith.constant 1 : i32
      %get3A_101 = arith.index_cast %get3A_100 : i32 to index
      %get3A_102 = arith.index_cast %mul3A_67 : i32 to index
      %get3A_103 = tpu.vector_load %arg5[%get3A_101, %get3A_102] {strides = array<i32>} : memref<16x1024xf32, #tpu.memory_space<vmem>>, vector<1x16xf32>,
      %get3A_104 = vector.shape_cast %get3A_103 : vector<1x16xf32> to vector<16xf32>
      %add3A_105 = arith.addf %get3A_99, %get3A_104 : vector<16xf32>
      %get3A_106 = arith.constant 1 : i32
      %get3A_107 = arith.index_cast %get3A_106 : i32 to index
      %get3A_108 = arith.index_cast %mul3A_67 : i32 to index
      %get3A_109 = tpu.vector_load %arg6[%get3A_107, %get3A_108] {strides = array<i32>} : memref<16x1024xf32, #tpu.memory_space<vmem>>, vector<1x16xf32>,
      %get3A_110 = vector.shape_cast %get3A_109 : vector<1x16xf32> to vector<16xf32>
      %get3A_111 = arith.constant 1 : i32
      %get3A_112 = arith.index_cast %get3A_111 : i32 to index
      %get3A_113 = arith.index_cast %mul3A_67 : i32 to index
      %get3A_114 = tpu.vector_load %arg7[%get3A_112, %get3A_113] {strides = array<i32>} : memref<16x1024xf32, #tpu.memory_space<vmem>>, vector<1x16xf32>,
      %get3A_115 = vector.shape_cast %get3A_114 : vector<1x16xf32> to vector<16xf32>
      %add3A_116 = arith.addf %get3A_110, %get3A_115 : vector<16xf32>
      %add3A_117 = arith.addf %add3A_105, %add3A_116 : vector<16xf32>
      %swap3A_118 = arith.constant 1 : i32
      %swap3A_119 = arith.index_cast %swap3A_118 : i32 to index
      %swap3A_120 = arith.index_cast %mul3A_67 : i32 to index
      %swap3A_121 = tpu.vector_load %arg4[%swap3A_119, %swap3A_120] {strides = array<i32>} : memref<16x1024xf32, #tpu.memory_space<vmem>>, vector<1x16xf32>,
      %swap3A_122 = vector.shape_cast %swap3A_121 : vector<1x16xf32> to vector<16xf32>
      %swap3A_123 = vector.shape_cast %add3A_117 : vector<16xf32> to vector<1x16xf32>
      tpu.vector_store %arg4[%swap3A_119, %swap3A_120], %swap3A_123 {strides = array<i32>} : memref<16x1024xf32, #tpu.memory_space<vmem>>, vector<1x16xf32>,
      %get3A_124 = arith.constant 2 : i32
      %get3A_125 = arith.index_cast %get3A_124 : i32 to index
      %get3A_126 = arith.index_cast %mul3A_67 : i32 to index
      %get3A_127 = tpu.vector_load %arg4[%get3A_125, %get3A_126] {strides = array<i32>} : memref<16x1024xf32, #tpu.memory_space<vmem>>, vector<1x16xf32>,
      %get3A_128 = vector.shape_cast %get3A_127 : vector<1x16xf32> to vector<16xf32>
      %get3A_129 = arith.constant 2 : i32
      %get3A_130 = arith.index_cast %get3A_129 : i32 to index
      %get3A_131 = arith.index_cast %mul3A_67 : i32 to index
      %get3A_132 = tpu.vector_load %arg5[%get3A_130, %get3A_131] {strides = array<i32>} : memref<16x1024xf32, #tpu.memory_space<vmem>>, vector<1x16xf32>,
      %get3A_133 = vector.shape_cast %get3A_132 : vector<1x16xf32> to vector<16xf32>
      %add3A_134 = arith.addf %get3A_128, %get3A_133 : vector<16xf32>
      %get3A_135 = arith.constant 2 : i32
      %get3A_136 = arith.index_cast %get3A_135 : i32 to index
      %get3A_137 = arith.index_cast %mul3A_67 : i32 to index
      %get3A_138 = tpu.vector_load %arg6[%get3A_136, %get3A_137] {strides = array<i32>} : memref<16x1024xf32, #tpu.memory_space<vmem>>, vector<1x16xf32>,
      %get3A_139 = vector.shape_cast %get3A_138 : vector<1x16xf32> to vector<16xf32>
      %get3A_140 = arith.constant 2 : i32
      %get3A_141 = arith.index_cast %get3A_140 : i32 to index
      %get3A_142 = arith.index_cast %mul3A_67 : i32 to index
      %get3A_143 = tpu.vector_load %arg7[%get3A_141, %get3A_142] {strides = array<i32>} : memref<16x1024xf32, #tpu.memory_space<vmem>>, vector<1x16xf32>,
      %get3A_144 = vector.shape_cast %get3A_143 : vector<1x16xf32> to vector<16xf32>
      %add3A_145 = arith.addf %get3A_139, %get3A_144 : vector<16xf32>
      %add3A_146 = arith.addf %add3A_134, %add3A_145 : vector<16xf32>
      %swap3A_147 = arith.constant 2 : i32
      %swap3A_148 = arith.index_cast %swap3A_147 : i32 to index
      %swap3A_149 = arith.index_cast %mul3A_67 : i32 to index
      %swap3A_150 = tpu.vector_load %arg4[%swap3A_148, %swap3A_149] {strides = array<i32>} : memref<16x1024xf32, #tpu.memory_space<vmem>>, vector<1x16xf32>,
      %swap3A_151 = vector.shape_cast %swap3A_150 : vector<1x16xf32> to vector<16xf32>
      %swap3A_152 = vector.shape_cast %add3A_146 : vector<16xf32> to vector<1x16xf32>
      tpu.vector_store %arg4[%swap3A_148, %swap3A_149], %swap3A_152 {strides = array<i32>} : memref<16x1024xf32, #tpu.memory_space<vmem>>, vector<1x16xf32>,
      %get3A_153 = arith.constant 3 : i32
      %get3A_154 = arith.index_cast %get3A_153 : i32 to index
      %get3A_155 = arith.index_cast %mul3A_67 : i32 to index
      %get3A_156 = tpu.vector_load %arg4[%get3A_154, %get3A_155] {strides = array<i32>} : memref<16x1024xf32, #tpu.memory_space<vmem>>, vector<1x16xf32>,
      %get3A_157 = vector.shape_cast %get3A_156 : vector<1x16xf32> to vector<16xf32>
      %get3A_158 = arith.constant 3 : i32
      %get3A_159 = arith.index_cast %get3A_158 : i32 to index
      %get3A_160 = arith.index_cast %mul3A_67 : i32 to index
      %get3A_161 = tpu.vector_load %arg5[%get3A_159, %get3A_160] {strides = array<i32>} : memref<16x1024xf32, #tpu.memory_space<vmem>>, vector<1x16xf32>,
      %get3A_162 = vector.shape_cast %get3A_161 : vector<1x16xf32> to vector<16xf32>
      %add3A_163 = arith.addf %get3A_157, %get3A_162 : vector<16xf32>
      %get3A_164 = arith.constant 3 : i32
      %get3A_165 = arith.index_cast %get3A_164 : i32 to index
      %get3A_166 = arith.index_cast %mul3A_67 : i32 to index
      %get3A_167 = tpu.vector_load %arg6[%get3A_165, %get3A_166] {strides = array<i32>} : memref<16x1024xf32, #tpu.memory_space<vmem>>, vector<1x16xf32>,
      %get3A_168 = vector.shape_cast %get3A_167 : vector<1x16xf32> to vector<16xf32>
      %get3A_169 = arith.constant 3 : i32
      %get3A_170 = arith.index_cast %get3A_169 : i32 to index
      %get3A_171 = arith.index_cast %mul3A_67 : i32 to index
      %get3A_172 = tpu.vector_load %arg7[%get3A_170, %get3A_171] {strides = array<i32>} : memref<16x1024xf32, #tpu.memory_space<vmem>>, vector<1x16xf32>,
      %get3A_173 = vector.shape_cast %get3A_172 : vector<1x16xf32> to vector<16xf32>
      %add3A_174 = arith.addf %get3A_168, %get3A_173 : vector<16xf32>
      %add3A_175 = arith.addf %add3A_163, %add3A_174 : vector<16xf32>
      %swap3A_176 = arith.constant 3 : i32
      %swap3A_177 = arith.index_cast %swap3A_176 : i32 to index
      %swap3A_178 = arith.index_cast %mul3A_67 : i32 to index
      %swap3A_179 = tpu.vector_load %arg4[%swap3A_177, %swap3A_178] {strides = array<i32>} : memref<16x1024xf32, #tpu.memory_space<vmem>>, vector<1x16xf32>,
      %swap3A_180 = vector.shape_cast %swap3A_179 : vector<1x16xf32> to vector<16xf32>
      %swap3A_181 = vector.shape_cast %add3A_175 : vector<16xf32> to vector<1x16xf32>
      tpu.vector_store %arg4[%swap3A_177, %swap3A_178], %swap3A_181 {strides = array<i32>} : memref<16x1024xf32, #tpu.memory_space<vmem>>, vector<1x16xf32>,
      %get3A_182 = arith.constant 4 : i32
      %get3A_183 = arith.index_cast %get3A_182 : i32 to index
      %get3A_184 = arith.index_cast %mul3A_67 : i32 to index
      %get3A_185 = tpu.vector_load %arg4[%get3A_183, %get3A_184] {strides = array<i32>} : memref<16x1024xf32, #tpu.memory_space<vmem>>, vector<1x16xf32>,
      %get3A_186 = vector.shape_cast %get3A_185 : vector<1x16xf32> to vector<16xf32>
      %get3A_187 = arith.constant 4 : i32
      %get3A_188 = arith.index_cast %get3A_187 : i32 to index
      %get3A_189 = arith.index_cast %mul3A_67 : i32 to index
      %get3A_190 = tpu.vector_load %arg5[%get3A_188, %get3A_189] {strides = array<i32>} : memref<16x1024xf32, #tpu.memory_space<vmem>>, vector<1x16xf32>,
      %get3A_191 = vector.shape_cast %get3A_190 : vector<1x16xf32> to vector<16xf32>
      %add3A_192 = arith.addf %get3A_186, %get3A_191 : vector<16xf32>
      %get3A_193 = arith.constant 4 : i32
      %get3A_194 = arith.index_cast %get3A_193 : i32 to index
      %get3A_195 = arith.index_cast %mul3A_67 : i32 to index
      %get3A_196 = tpu.vector_load %arg6[%get3A_194, %get3A_195] {strides = array<i32>} : memref<16x1024xf32, #tpu.memory_space<vmem>>, vector<1x16xf32>,
      %get3A_197 = vector.shape_cast %get3A_196 : vector<1x16xf32> to vector<16xf32>
      %get3A_198 = arith.constant 4 : i32
      %get3A_199 = arith.index_cast %get3A_198 : i32 to index
      %get3A_200 = arith.index_cast %mul3A_67 : i32 to index
      %get3A_201 = tpu.vector_load %arg7[%get3A_199, %get3A_200] {strides = array<i32>} : memref<16x1024xf32, #tpu.memory_space<vmem>>, vector<1x16xf32>,
      %get3A_202 = vector.shape_cast %get3A_201 : vector<1x16xf32> to vector<16xf32>
      %add3A_203 = arith.addf %get3A_197, %get3A_202 : vector<16xf32>
      %add3A_204 = arith.addf %add3A_192, %add3A_203 : vector<16xf32>
      %swap3A_205 = arith.constant 4 : i32
      %swap3A_206 = arith.index_cast %swap3A_205 : i32 to index
      %swap3A_207 = arith.index_cast %mul3A_67 : i32 to index
      %swap3A_208 = tpu.vector_load %arg4[%swap3A_206, %swap3A_207] {strides = array<i32>} : memref<16x1024xf32, #tpu.memory_space<vmem>>, vector<1x16xf32>,
      %swap3A_209 = vector.shape_cast %swap3A_208 : vector<1x16xf32> to vector<16xf32>
      %swap3A_210 = vector.shape_cast %add3A_204 : vector<16xf32> to vector<1x16xf32>
      tpu.vector_store %arg4[%swap3A_206, %swap3A_207], %swap3A_210 {strides = array<i32>} : memref<16x1024xf32, #tpu.memory_space<vmem>>, vector<1x16xf32>,
      %get3A_211 = arith.constant 5 : i32
      %get3A_212 = arith.index_cast %get3A_211 : i32 to index
      %get3A_213 = arith.index_cast %mul3A_67 : i32 to index
      %get3A_214 = tpu.vector_load %arg4[%get3A_212, %get3A_213] {strides = array<i32>} : memref<16x1024xf32, #tpu.memory_space<vmem>>, vector<1x16xf32>,
      %get3A_215 = vector.shape_cast %get3A_214 : vector<1x16xf32> to vector<16xf32>
      %get3A_216 = arith.constant 5 : i32
      %get3A_217 = arith.index_cast %get3A_216 : i32 to index
      %get3A_218 = arith.index_cast %mul3A_67 : i32 to index
      %get3A_219 = tpu.vector_load %arg5[%get3A_217, %get3A_218] {strides = array<i32>} : memref<16x1024xf32, #tpu.memory_space<vmem>>, vector<1x16xf32>,
      %get3A_220 = vector.shape_cast %get3A_219 : vector<1x16xf32> to vector<16xf32>
      %add3A_221 = arith.addf %get3A_215, %get3A_220 : vector<16xf32>
      %get3A_222 = arith.constant 5 : i32
      %get3A_223 = arith.index_cast %get3A_222 : i32 to index
      %get3A_224 = arith.index_cast %mul3A_67 : i32 to index
      %get3A_225 = tpu.vector_load %arg6[%get3A_223, %get3A_224] {strides = array<i32>} : memref<16x1024xf32, #tpu.memory_space<vmem>>, vector<1x16xf32>,
      %get3A_226 = vector.shape_cast %get3A_225 : vector<1x16xf32> to vector<16xf32>
      %get3A_227 = arith.constant 5 : i32
      %get3A_228 = arith.index_cast %get3A_227 : i32 to index
      %get3A_229 = arith.index_cast %mul3A_67 : i32 to index
      %get3A_230 = tpu.vector_load %arg7[%get3A_228, %get3A_229] {strides = array<i32>} : memref<16x1024xf32, #tpu.memory_space<vmem>>, vector<1x16xf32>,
      %get3A_231 = vector.shape_cast %get3A_230 : vector<1x16xf32> to vector<16xf32>
      %add3A_232 = arith.addf %get3A_226, %get3A_231 : vector<16xf32>
      %add3A_233 = arith.addf %add3A_221, %add3A_232 : vector<16xf32>
      %swap3A_234 = arith.constant 5 : i32
      %swap3A_235 = arith.index_cast %swap3A_234 : i32 to index
      %swap3A_236 = arith.index_cast %mul3A_67 : i32 to index
      %swap3A_237 = tpu.vector_load %arg4[%swap3A_235, %swap3A_236] {strides = array<i32>} : memref<16x1024xf32, #tpu.memory_space<vmem>>, vector<1x16xf32>,
      %swap3A_238 = vector.shape_cast %swap3A_237 : vector<1x16xf32> to vector<16xf32>
      %swap3A_239 = vector.shape_cast %add3A_233 : vector<16xf32> to vector<1x16xf32>
      tpu.vector_store %arg4[%swap3A_235, %swap3A_236], %swap3A_239 {strides = array<i32>} : memref<16x1024xf32, #tpu.memory_space<vmem>>, vector<1x16xf32>,
      %get3A_240 = arith.constant 6 : i32
      %get3A_241 = arith.index_cast %get3A_240 : i32 to index
      %get3A_242 = arith.index_cast %mul3A_67 : i32 to index
      %get3A_243 = tpu.vector_load %arg4[%get3A_241, %get3A_242] {strides = array<i32>} : memref<16x1024xf32, #tpu.memory_space<vmem>>, vector<1x16xf32>,
      %get3A_244 = vector.shape_cast %get3A_243 : vector<1x16xf32> to vector<16xf32>
      %get3A_245 = arith.constant 6 : i32
      %get3A_246 = arith.index_cast %get3A_245 : i32 to index
      %get3A_247 = arith.index_cast %mul3A_67 : i32 to index
      %get3A_248 = tpu.vector_load %arg5[%get3A_246, %get3A_247] {strides = array<i32>} : memref<16x1024xf32, #tpu.memory_space<vmem>>, vector<1x16xf32>,
      %get3A_249 = vector.shape_cast %get3A_248 : vector<1x16xf32> to vector<16xf32>
      %add3A_250 = arith.addf %get3A_244, %get3A_249 : vector<16xf32>
      %get3A_251 = arith.constant 6 : i32
      %get3A_252 = arith.index_cast %get3A_251 : i32 to index
      %get3A_253 = arith.index_cast %mul3A_67 : i32 to index
      %get3A_254 = tpu.vector_load %arg6[%get3A_252, %get3A_253] {strides = array<i32>} : memref<16x1024xf32, #tpu.memory_space<vmem>>, vector<1x16xf32>,
      %get3A_255 = vector.shape_cast %get3A_254 : vector<1x16xf32> to vector<16xf32>
      %get3A_256 = arith.constant 6 : i32
      %get3A_257 = arith.index_cast %get3A_256 : i32 to index
      %get3A_258 = arith.index_cast %mul3A_67 : i32 to index
      %get3A_259 = tpu.vector_load %arg7[%get3A_257, %get3A_258] {strides = array<i32>} : memref<16x1024xf32, #tpu.memory_space<vmem>>, vector<1x16xf32>,
      %get3A_260 = vector.shape_cast %get3A_259 : vector<1x16xf32> to vector<16xf32>
      %add3A_261 = arith.addf %get3A_255, %get3A_260 : vector<16xf32>
      %add3A_262 = arith.addf %add3A_250, %add3A_261 : vector<16xf32>
      %swap3A_263 = arith.constant 6 : i32
      %swap3A_264 = arith.index_cast %swap3A_263 : i32 to index
      %swap3A_265 = arith.index_cast %mul3A_67 : i32 to index
      %swap3A_266 = tpu.vector_load %arg4[%swap3A_264, %swap3A_265] {strides = array<i32>} : memref<16x1024xf32, #tpu.memory_space<vmem>>, vector<1x16xf32>,
      %swap3A_267 = vector.shape_cast %swap3A_266 : vector<1x16xf32> to vector<16xf32>
      %swap3A_268 = vector.shape_cast %add3A_262 : vector<16xf32> to vector<1x16xf32>
      tpu.vector_store %arg4[%swap3A_264, %swap3A_265], %swap3A_268 {strides = array<i32>} : memref<16x1024xf32, #tpu.memory_space<vmem>>, vector<1x16xf32>,
      %get3A_269 = arith.constant 7 : i32
      %get3A_270 = arith.index_cast %get3A_269 : i32 to index
      %get3A_271 = arith.index_cast %mul3A_67 : i32 to index
      %get3A_272 = tpu.vector_load %arg4[%get3A_270, %get3A_271] {strides = array<i32>} : memref<16x1024xf32, #tpu.memory_space<vmem>>, vector<1x16xf32>,
      %get3A_273 = vector.shape_cast %get3A_272 : vector<1x16xf32> to vector<16xf32>
      %get3A_274 = arith.constant 7 : i32
      %get3A_275 = arith.index_cast %get3A_274 : i32 to index
      %get3A_276 = arith.index_cast %mul3A_67 : i32 to index
      %get3A_277 = tpu.vector_load %arg5[%get3A_275, %get3A_276] {strides = array<i32>} : memref<16x1024xf32, #tpu.memory_space<vmem>>, vector<1x16xf32>,
      %get3A_278 = vector.shape_cast %get3A_277 : vector<1x16xf32> to vector<16xf32>
      %add3A_279 = arith.addf %get3A_273, %get3A_278 : vector<16xf32>
      %get3A_280 = arith.constant 7 : i32
      %get3A_281 = arith.index_cast %get3A_280 : i32 to index
      %get3A_282 = arith.index_cast %mul3A_67 : i32 to index
      %get3A_283 = tpu.vector_load %arg6[%get3A_281, %get3A_282] {strides = array<i32>} : memref<16x1024xf32, #tpu.memory_space<vmem>>, vector<1x16xf32>,
      %get3A_284 = vector.shape_cast %get3A_283 : vector<1x16xf32> to vector<16xf32>
      %get3A_285 = arith.constant 7 : i32
      %get3A_286 = arith.index_cast %get3A_285 : i32 to index
      %get3A_287 = arith.index_cast %mul3A_67 : i32 to index
      %get3A_288 = tpu.vector_load %arg7[%get3A_286, %get3A_287] {strides = array<i32>} : memref<16x1024xf32, #tpu.memory_space<vmem>>, vector<1x16xf32>,
      %get3A_289 = vector.shape_cast %get3A_288 : vector<1x16xf32> to vector<16xf32>
      %add3A_290 = arith.addf %get3A_284, %get3A_289 : vector<16xf32>
      %add3A_291 = arith.addf %add3A_279, %add3A_290 : vector<16xf32>
      %swap3A_292 = arith.constant 7 : i32
      %swap3A_293 = arith.index_cast %swap3A_292 : i32 to index
      %swap3A_294 = arith.index_cast %mul3A_67 : i32 to index
      %swap3A_295 = tpu.vector_load %arg4[%swap3A_293, %swap3A_294] {strides = array<i32>} : memref<16x1024xf32, #tpu.memory_space<vmem>>, vector<1x16xf32>,
      %swap3A_296 = vector.shape_cast %swap3A_295 : vector<1x16xf32> to vector<16xf32>
      %swap3A_297 = vector.shape_cast %add3A_291 : vector<16xf32> to vector<1x16xf32>
      tpu.vector_store %arg4[%swap3A_293, %swap3A_294], %swap3A_297 {strides = array<i32>} : memref<16x1024xf32, #tpu.memory_space<vmem>>, vector<1x16xf32>,
      %get3A_298 = arith.constant 8 : i32
      %get3A_299 = arith.index_cast %get3A_298 : i32 to index
      %get3A_300 = arith.index_cast %mul3A_67 : i32 to index
      %get3A_301 = tpu.vector_load %arg4[%get3A_299, %get3A_300] {strides = array<i32>} : memref<16x1024xf32, #tpu.memory_space<vmem>>, vector<1x16xf32>,
      %get3A_302 = vector.shape_cast %get3A_301 : vector<1x16xf32> to vector<16xf32>
      %get3A_303 = arith.constant 8 : i32
      %get3A_304 = arith.index_cast %get3A_303 : i32 to index
      %get3A_305 = arith.index_cast %mul3A_67 : i32 to index
      %get3A_306 = tpu.vector_load %arg5[%get3A_304, %get3A_305] {strides = array<i32>} : memref<16x1024xf32, #tpu.memory_space<vmem>>, vector<1x16xf32>,
      %get3A_307 = vector.shape_cast %get3A_306 : vector<1x16xf32> to vector<16xf32>
      %add3A_308 = arith.addf %get3A_302, %get3A_307 : vector<16xf32>
      %get3A_309 = arith.constant 8 : i32
      %get3A_310 = arith.index_cast %get3A_309 : i32 to index
      %get3A_311 = arith.index_cast %mul3A_67 : i32 to index
      %get3A_312 = tpu.vector_load %arg6[%get3A_310, %get3A_311] {strides = array<i32>} : memref<16x1024xf32, #tpu.memory_space<vmem>>, vector<1x16xf32>,
      %get3A_313 = vector.shape_cast %get3A_312 : vector<1x16xf32> to vector<16xf32>
      %get3A_314 = arith.constant 8 : i32
      %get3A_315 = arith.index_cast %get3A_314 : i32 to index
      %get3A_316 = arith.index_cast %mul3A_67 : i32 to index
      %get3A_317 = tpu.vector_load %arg7[%get3A_315, %get3A_316] {strides = array<i32>} : memref<16x1024xf32, #tpu.memory_space<vmem>>, vector<1x16xf32>,
      %get3A_318 = vector.shape_cast %get3A_317 : vector<1x16xf32> to vector<16xf32>
      %add3A_319 = arith.addf %get3A_313, %get3A_318 : vector<16xf32>
      %add3A_320 = arith.addf %add3A_308, %add3A_319 : vector<16xf32>
      %swap3A_321 = arith.constant 8 : i32
      %swap3A_322 = arith.index_cast %swap3A_321 : i32 to index
      %swap3A_323 = arith.index_cast %mul3A_67 : i32 to index
      %swap3A_324 = tpu.vector_load %arg4[%swap3A_322, %swap3A_323] {strides = array<i32>} : memref<16x1024xf32, #tpu.memory_space<vmem>>, vector<1x16xf32>,
      %swap3A_325 = vector.shape_cast %swap3A_324 : vector<1x16xf32> to vector<16xf32>
      %swap3A_326 = vector.shape_cast %add3A_320 : vector<16xf32> to vector<1x16xf32>
      tpu.vector_store %arg4[%swap3A_322, %swap3A_323], %swap3A_326 {strides = array<i32>} : memref<16x1024xf32, #tpu.memory_space<vmem>>, vector<1x16xf32>,
      %get3A_327 = arith.constant 9 : i32
      %get3A_328 = arith.index_cast %get3A_327 : i32 to index
      %get3A_329 = arith.index_cast %mul3A_67 : i32 to index
      %get3A_330 = tpu.vector_load %arg4[%get3A_328, %get3A_329] {strides = array<i32>} : memref<16x1024xf32, #tpu.memory_space<vmem>>, vector<1x16xf32>,
      %get3A_331 = vector.shape_cast %get3A_330 : vector<1x16xf32> to vector<16xf32>
      %get3A_332 = arith.constant 9 : i32
      %get3A_333 = arith.index_cast %get3A_332 : i32 to index
      %get3A_334 = arith.index_cast %mul3A_67 : i32 to index
      %get3A_335 = tpu.vector_load %arg5[%get3A_333, %get3A_334] {strides = array<i32>} : memref<16x1024xf32, #tpu.memory_space<vmem>>, vector<1x16xf32>,
      %get3A_336 = vector.shape_cast %get3A_335 : vector<1x16xf32> to vector<16xf32>
      %add3A_337 = arith.addf %get3A_331, %get3A_336 : vector<16xf32>
      %get3A_338 = arith.constant 9 : i32
      %get3A_339 = arith.index_cast %get3A_338 : i32 to index
      %get3A_340 = arith.index_cast %mul3A_67 : i32 to index
      %get3A_341 = tpu.vector_load %arg6[%get3A_339, %get3A_340] {strides = array<i32>} : memref<16x1024xf32, #tpu.memory_space<vmem>>, vector<1x16xf32>,
      %get3A_342 = vector.shape_cast %get3A_341 : vector<1x16xf32> to vector<16xf32>
      %get3A_343 = arith.constant 9 : i32
      %get3A_344 = arith.index_cast %get3A_343 : i32 to index
      %get3A_345 = arith.index_cast %mul3A_67 : i32 to index
      %get3A_346 = tpu.vector_load %arg7[%get3A_344, %get3A_345] {strides = array<i32>} : memref<16x1024xf32, #tpu.memory_space<vmem>>, vector<1x16xf32>,
      %get3A_347 = vector.shape_cast %get3A_346 : vector<1x16xf32> to vector<16xf32>
      %add3A_348 = arith.addf %get3A_342, %get3A_347 : vector<16xf32>
      %add3A_349 = arith.addf %add3A_337, %add3A_348 : vector<16xf32>
      %swap3A_350 = arith.constant 9 : i32
      %swap3A_351 = arith.index_cast %swap3A_350 : i32 to index
      %swap3A_352 = arith.index_cast %mul3A_67 : i32 to index
      %swap3A_353 = tpu.vector_load %arg4[%swap3A_351, %swap3A_352] {strides = array<i32>} : memref<16x1024xf32, #tpu.memory_space<vmem>>, vector<1x16xf32>,
      %swap3A_354 = vector.shape_cast %swap3A_353 : vector<1x16xf32> to vector<16xf32>
      %swap3A_355 = vector.shape_cast %add3A_349 : vector<16xf32> to vector<1x16xf32>
      tpu.vector_store %arg4[%swap3A_351, %swap3A_352], %swap3A_355 {strides = array<i32>} : memref<16x1024xf32, #tpu.memory_space<vmem>>, vector<1x16xf32>,
      %get3A_356 = arith.constant 10 : i32
      %get3A_357 = arith.index_cast %get3A_356 : i32 to index
      %get3A_358 = arith.index_cast %mul3A_67 : i32 to index
      %get3A_359 = tpu.vector_load %arg4[%get3A_357, %get3A_358] {strides = array<i32>} : memref<16x1024xf32, #tpu.memory_space<vmem>>, vector<1x16xf32>,
      %get3A_360 = vector.shape_cast %get3A_359 : vector<1x16xf32> to vector<16xf32>
      %get3A_361 = arith.constant 10 : i32
      %get3A_362 = arith.index_cast %get3A_361 : i32 to index
      %get3A_363 = arith.index_cast %mul3A_67 : i32 to index
      %get3A_364 = tpu.vector_load %arg5[%get3A_362, %get3A_363] {strides = array<i32>} : memref<16x1024xf32, #tpu.memory_space<vmem>>, vector<1x16xf32>,
      %get3A_365 = vector.shape_cast %get3A_364 : vector<1x16xf32> to vector<16xf32>
      %add3A_366 = arith.addf %get3A_360, %get3A_365 : vector<16xf32>
      %get3A_367 = arith.constant 10 : i32
      %get3A_368 = arith.index_cast %get3A_367 : i32 to index
      %get3A_369 = arith.index_cast %mul3A_67 : i32 to index
      %get3A_370 = tpu.vector_load %arg6[%get3A_368, %get3A_369] {strides = array<i32>} : memref<16x1024xf32, #tpu.memory_space<vmem>>, vector<1x16xf32>,
      %get3A_371 = vector.shape_cast %get3A_370 : vector<1x16xf32> to vector<16xf32>
      %get3A_372 = arith.constant 10 : i32
      %get3A_373 = arith.index_cast %get3A_372 : i32 to index
      %get3A_374 = arith.index_cast %mul3A_67 : i32 to index
      %get3A_375 = tpu.vector_load %arg7[%get3A_373, %get3A_374] {strides = array<i32>} : memref<16x1024xf32, #tpu.memory_space<vmem>>, vector<1x16xf32>,
      %get3A_376 = vector.shape_cast %get3A_375 : vector<1x16xf32> to vector<16xf32>
      %add3A_377 = arith.addf %get3A_371, %get3A_376 : vector<16xf32>
      %add3A_378 = arith.addf %add3A_366, %add3A_377 : vector<16xf32>
      %swap3A_379 = arith.constant 10 : i32
      %swap3A_380 = arith.index_cast %swap3A_379 : i32 to index
      %swap3A_381 = arith.index_cast %mul3A_67 : i32 to index
      %swap3A_382 = tpu.vector_load %arg4[%swap3A_380, %swap3A_381] {strides = array<i32>} : memref<16x1024xf32, #tpu.memory_space<vmem>>, vector<1x16xf32>,
      %swap3A_383 = vector.shape_cast %swap3A_382 : vector<1x16xf32> to vector<16xf32>
      %swap3A_384 = vector.shape_cast %add3A_378 : vector<16xf32> to vector<1x16xf32>
      tpu.vector_store %arg4[%swap3A_380, %swap3A_381], %swap3A_384 {strides = array<i32>} : memref<16x1024xf32, #tpu.memory_space<vmem>>, vector<1x16xf32>,
      %get3A_385 = arith.constant 11 : i32
      %get3A_386 = arith.index_cast %get3A_385 : i32 to index
      %get3A_387 = arith.index_cast %mul3A_67 : i32 to index
      %get3A_388 = tpu.vector_load %arg4[%get3A_386, %get3A_387] {strides = array<i32>} : memref<16x1024xf32, #tpu.memory_space<vmem>>, vector<1x16xf32>,
      %get3A_389 = vector.shape_cast %get3A_388 : vector<1x16xf32> to vector<16xf32>
      %get3A_390 = arith.constant 11 : i32
      %get3A_391 = arith.index_cast %get3A_390 : i32 to index
      %get3A_392 = arith.index_cast %mul3A_67 : i32 to index
      %get3A_393 = tpu.vector_load %arg5[%get3A_391, %get3A_392] {strides = array<i32>} : memref<16x1024xf32, #tpu.memory_space<vmem>>, vector<1x16xf32>,
      %get3A_394 = vector.shape_cast %get3A_393 : vector<1x16xf32> to vector<16xf32>
      %add3A_395 = arith.addf %get3A_389, %get3A_394 : vector<16xf32>
      %get3A_396 = arith.constant 11 : i32
      %get3A_397 = arith.index_cast %get3A_396 : i32 to index
      %get3A_398 = arith.index_cast %mul3A_67 : i32 to index
      %get3A_399 = tpu.vector_load %arg6[%get3A_397, %get3A_398] {strides = array<i32>} : memref<16x1024xf32, #tpu.memory_space<vmem>>, vector<1x16xf32>,
      %get3A_400 = vector.shape_cast %get3A_399 : vector<1x16xf32> to vector<16xf32>
      %get3A_401 = arith.constant 11 : i32
      %get3A_402 = arith.index_cast %get3A_401 : i32 to index
      %get3A_403 = arith.index_cast %mul3A_67 : i32 to index
      %get3A_404 = tpu.vector_load %arg7[%get3A_402, %get3A_403] {strides = array<i32>} : memref<16x1024xf32, #tpu.memory_space<vmem>>, vector<1x16xf32>,
      %get3A_405 = vector.shape_cast %get3A_404 : vector<1x16xf32> to vector<16xf32>
      %add3A_406 = arith.addf %get3A_400, %get3A_405 : vector<16xf32>
      %add3A_407 = arith.addf %add3A_395, %add3A_406 : vector<16xf32>
      %swap3A_408 = arith.constant 11 : i32
      %swap3A_409 = arith.index_cast %swap3A_408 : i32 to index
      %swap3A_410 = arith.index_cast %mul3A_67 : i32 to index
      %swap3A_411 = tpu.vector_load %arg4[%swap3A_409, %swap3A_410] {strides = array<i32>} : memref<16x1024xf32, #tpu.memory_space<vmem>>, vector<1x16xf32>,
      %swap3A_412 = vector.shape_cast %swap3A_411 : vector<1x16xf32> to vector<16xf32>
      %swap3A_413 = vector.shape_cast %add3A_407 : vector<16xf32> to vector<1x16xf32>
      tpu.vector_store %arg4[%swap3A_409, %swap3A_410], %swap3A_413 {strides = array<i32>} : memref<16x1024xf32, #tpu.memory_space<vmem>>, vector<1x16xf32>,
      %get3A_414 = arith.constant 12 : i32
      %get3A_415 = arith.index_cast %get3A_414 : i32 to index
      %get3A_416 = arith.index_cast %mul3A_67 : i32 to index
      %get3A_417 = tpu.vector_load %arg4[%get3A_415, %get3A_416] {strides = array<i32>} : memref<16x1024xf32, #tpu.memory_space<vmem>>, vector<1x16xf32>,
      %get3A_418 = vector.shape_cast %get3A_417 : vector<1x16xf32> to vector<16xf32>
      %get3A_419 = arith.constant 12 : i32
      %get3A_420 = arith.index_cast %get3A_419 : i32 to index
      %get3A_421 = arith.index_cast %mul3A_67 : i32 to index
      %get3A_422 = tpu.vector_load %arg5[%get3A_420, %get3A_421] {strides = array<i32>} : memref<16x1024xf32, #tpu.memory_space<vmem>>, vector<1x16xf32>,
      %get3A_423 = vector.shape_cast %get3A_422 : vector<1x16xf32> to vector<16xf32>
      %add3A_424 = arith.addf %get3A_418, %get3A_423 : vector<16xf32>
      %get3A_425 = arith.constant 12 : i32
      %get3A_426 = arith.index_cast %get3A_425 : i32 to index
      %get3A_427 = arith.index_cast %mul3A_67 : i32 to index
      %get3A_428 = tpu.vector_load %arg6[%get3A_426, %get3A_427] {strides = array<i32>} : memref<16x1024xf32, #tpu.memory_space<vmem>>, vector<1x16xf32>,
      %get3A_429 = vector.shape_cast %get3A_428 : vector<1x16xf32> to vector<16xf32>
      %get3A_430 = arith.constant 12 : i32
      %get3A_431 = arith.index_cast %get3A_430 : i32 to index
      %get3A_432 = arith.index_cast %mul3A_67 : i32 to index
      %get3A_433 = tpu.vector_load %arg7[%get3A_431, %get3A_432] {strides = array<i32>} : memref<16x1024xf32, #tpu.memory_space<vmem>>, vector<1x16xf32>,
      %get3A_434 = vector.shape_cast %get3A_433 : vector<1x16xf32> to vector<16xf32>
      %add3A_435 = arith.addf %get3A_429, %get3A_434 : vector<16xf32>
      %add3A_436 = arith.addf %add3A_424, %add3A_435 : vector<16xf32>
      %swap3A_437 = arith.constant 12 : i32
      %swap3A_438 = arith.index_cast %swap3A_437 : i32 to index
      %swap3A_439 = arith.index_cast %mul3A_67 : i32 to index
      %swap3A_440 = tpu.vector_load %arg4[%swap3A_438, %swap3A_439] {strides = array<i32>} : memref<16x1024xf32, #tpu.memory_space<vmem>>, vector<1x16xf32>,
      %swap3A_441 = vector.shape_cast %swap3A_440 : vector<1x16xf32> to vector<16xf32>
      %swap3A_442 = vector.shape_cast %add3A_436 : vector<16xf32> to vector<1x16xf32>
      tpu.vector_store %arg4[%swap3A_438, %swap3A_439], %swap3A_442 {strides = array<i32>} : memref<16x1024xf32, #tpu.memory_space<vmem>>, vector<1x16xf32>,
      %get3A_443 = arith.constant 13 : i32
      %get3A_444 = arith.index_cast %get3A_443 : i32 to index
      %get3A_445 = arith.index_cast %mul3A_67 : i32 to index
      %get3A_446 = tpu.vector_load %arg4[%get3A_444, %get3A_445] {strides = array<i32>} : memref<16x1024xf32, #tpu.memory_space<vmem>>, vector<1x16xf32>,
      %get3A_447 = vector.shape_cast %get3A_446 : vector<1x16xf32> to vector<16xf32>
      %get3A_448 = arith.constant 13 : i32
      %get3A_449 = arith.index_cast %get3A_448 : i32 to index
      %get3A_450 = arith.index_cast %mul3A_67 : i32 to index
      %get3A_451 = tpu.vector_load %arg5[%get3A_449, %get3A_450] {strides = array<i32>} : memref<16x1024xf32, #tpu.memory_space<vmem>>, vector<1x16xf32>,
      %get3A_452 = vector.shape_cast %get3A_451 : vector<1x16xf32> to vector<16xf32>
      %add3A_453 = arith.addf %get3A_447, %get3A_452 : vector<16xf32>
      %get3A_454 = arith.constant 13 : i32
      %get3A_455 = arith.index_cast %get3A_454 : i32 to index
      %get3A_456 = arith.index_cast %mul3A_67 : i32 to index
      %get3A_457 = tpu.vector_load %arg6[%get3A_455, %get3A_456] {strides = array<i32>} : memref<16x1024xf32, #tpu.memory_space<vmem>>, vector<1x16xf32>,
      %get3A_458 = vector.shape_cast %get3A_457 : vector<1x16xf32> to vector<16xf32>
      %get3A_459 = arith.constant 13 : i32
      %get3A_460 = arith.index_cast %get3A_459 : i32 to index
      %get3A_461 = arith.index_cast %mul3A_67 : i32 to index
      %get3A_462 = tpu.vector_load %arg7[%get3A_460, %get3A_461] {strides = array<i32>} : memref<16x1024xf32, #tpu.memory_space<vmem>>, vector<1x16xf32>,
      %get3A_463 = vector.shape_cast %get3A_462 : vector<1x16xf32> to vector<16xf32>
      %add3A_464 = arith.addf %get3A_458, %get3A_463 : vector<16xf32>
      %add3A_465 = arith.addf %add3A_453, %add3A_464 : vector<16xf32>
      %swap3A_466 = arith.constant 13 : i32
      %swap3A_467 = arith.index_cast %swap3A_466 : i32 to index
      %swap3A_468 = arith.index_cast %mul3A_67 : i32 to index
      %swap3A_469 = tpu.vector_load %arg4[%swap3A_467, %swap3A_468] {strides = array<i32>} : memref<16x1024xf32, #tpu.memory_space<vmem>>, vector<1x16xf32>,
      %swap3A_470 = vector.shape_cast %swap3A_469 : vector<1x16xf32> to vector<16xf32>
      %swap3A_471 = vector.shape_cast %add3A_465 : vector<16xf32> to vector<1x16xf32>
      tpu.vector_store %arg4[%swap3A_467, %swap3A_468], %swap3A_471 {strides = array<i32>} : memref<16x1024xf32, #tpu.memory_space<vmem>>, vector<1x16xf32>,
      %get3A_472 = arith.constant 14 : i32
      %get3A_473 = arith.index_cast %get3A_472 : i32 to index
      %get3A_474 = arith.index_cast %mul3A_67 : i32 to index
      %get3A_475 = tpu.vector_load %arg4[%get3A_473, %get3A_474] {strides = array<i32>} : memref<16x1024xf32, #tpu.memory_space<vmem>>, vector<1x16xf32>,
      %get3A_476 = vector.shape_cast %get3A_475 : vector<1x16xf32> to vector<16xf32>
      %get3A_477 = arith.constant 14 : i32
      %get3A_478 = arith.index_cast %get3A_477 : i32 to index
      %get3A_479 = arith.index_cast %mul3A_67 : i32 to index
      %get3A_480 = tpu.vector_load %arg5[%get3A_478, %get3A_479] {strides = array<i32>} : memref<16x1024xf32, #tpu.memory_space<vmem>>, vector<1x16xf32>,
      %get3A_481 = vector.shape_cast %get3A_480 : vector<1x16xf32> to vector<16xf32>
      %add3A_482 = arith.addf %get3A_476, %get3A_481 : vector<16xf32>
      %get3A_483 = arith.constant 14 : i32
      %get3A_484 = arith.index_cast %get3A_483 : i32 to index
      %get3A_485 = arith.index_cast %mul3A_67 : i32 to index
      %get3A_486 = tpu.vector_load %arg6[%get3A_484, %get3A_485] {strides = array<i32>} : memref<16x1024xf32, #tpu.memory_space<vmem>>, vector<1x16xf32>,
      %get3A_487 = vector.shape_cast %get3A_486 : vector<1x16xf32> to vector<16xf32>
      %get3A_488 = arith.constant 14 : i32
      %get3A_489 = arith.index_cast %get3A_488 : i32 to index
      %get3A_490 = arith.index_cast %mul3A_67 : i32 to index
      %get3A_491 = tpu.vector_load %arg7[%get3A_489, %get3A_490] {strides = array<i32>} : memref<16x1024xf32, #tpu.memory_space<vmem>>, vector<1x16xf32>,
      %get3A_492 = vector.shape_cast %get3A_491 : vector<1x16xf32> to vector<16xf32>
      %add3A_493 = arith.addf %get3A_487, %get3A_492 : vector<16xf32>
      %add3A_494 = arith.addf %add3A_482, %add3A_493 : vector<16xf32>
      %swap3A_495 = arith.constant 14 : i32
      %swap3A_496 = arith.index_cast %swap3A_495 : i32 to index
      %swap3A_497 = arith.index_cast %mul3A_67 : i32 to index
      %swap3A_498 = tpu.vector_load %arg4[%swap3A_496, %swap3A_497] {strides = array<i32>} : memref<16x1024xf32, #tpu.memory_space<vmem>>, vector<1x16xf32>,
      %swap3A_499 = vector.shape_cast %swap3A_498 : vector<1x16xf32> to vector<16xf32>
      %swap3A_500 = vector.shape_cast %add3A_494 : vector<16xf32> to vector<1x16xf32>
      tpu.vector_store %arg4[%swap3A_496, %swap3A_497], %swap3A_500 {strides = array<i32>} : memref<16x1024xf32, #tpu.memory_space<vmem>>, vector<1x16xf32>,
      %get3A_501 = arith.constant 15 : i32
      %get3A_502 = arith.index_cast %get3A_501 : i32 to index
      %get3A_503 = arith.index_cast %mul3A_67 : i32 to index
      %get3A_504 = tpu.vector_load %arg4[%get3A_502, %get3A_503] {strides = array<i32>} : memref<16x1024xf32, #tpu.memory_space<vmem>>, vector<1x16xf32>,
      %get3A_505 = vector.shape_cast %get3A_504 : vector<1x16xf32> to vector<16xf32>
      %get3A_506 = arith.constant 15 : i32
      %get3A_507 = arith.index_cast %get3A_506 : i32 to index
      %get3A_508 = arith.index_cast %mul3A_67 : i32 to index
      %get3A_509 = tpu.vector_load %arg5[%get3A_507, %get3A_508] {strides = array<i32>} : memref<16x1024xf32, #tpu.memory_space<vmem>>, vector<1x16xf32>,
      %get3A_510 = vector.shape_cast %get3A_509 : vector<1x16xf32> to vector<16xf32>
      %add3A_511 = arith.addf %get3A_505, %get3A_510 : vector<16xf32>
      %get3A_512 = arith.constant 15 : i32
      %get3A_513 = arith.index_cast %get3A_512 : i32 to index
      %get3A_514 = arith.index_cast %mul3A_67 : i32 to index
      %get3A_515 = tpu.vector_load %arg6[%get3A_513, %get3A_514] {strides = array<i32>} : memref<16x1024xf32, #tpu.memory_space<vmem>>, vector<1x16xf32>,
      %get3A_516 = vector.shape_cast %get3A_515 : vector<1x16xf32> to vector<16xf32>
      %get3A_517 = arith.constant 15 : i32
      %get3A_518 = arith.index_cast %get3A_517 : i32 to index
      %get3A_519 = arith.index_cast %mul3A_67 : i32 to index
      %get3A_520 = tpu.vector_load %arg7[%get3A_518, %get3A_519] {strides = array<i32>} : memref<16x1024xf32, #tpu.memory_space<vmem>>, vector<1x16xf32>,
      %get3A_521 = vector.shape_cast %get3A_520 : vector<1x16xf32> to vector<16xf32>
      %add3A_522 = arith.addf %get3A_516, %get3A_521 : vector<16xf32>
      %add3A_523 = arith.addf %add3A_511, %add3A_522 : vector<16xf32>
      %swap3A_524 = arith.constant 15 : i32
      %swap3A_525 = arith.index_cast %swap3A_524 : i32 to index
      %swap3A_526 = arith.index_cast %mul3A_67 : i32 to index
      %swap3A_527 = tpu.vector_load %arg4[%swap3A_525, %swap3A_526] {strides = array<i32>} : memref<16x1024xf32, #tpu.memory_space<vmem>>, vector<1x16xf32>,
      %swap3A_528 = vector.shape_cast %swap3A_527 : vector<1x16xf32> to vector<16xf32>
      %swap3A_529 = vector.shape_cast %add3A_523 : vector<16xf32> to vector<1x16xf32>
      tpu.vector_store %arg4[%swap3A_525, %swap3A_526], %swap3A_529 {strides = array<i32>} : memref<16x1024xf32, #tpu.memory_space<vmem>>, vector<1x16xf32>,
    }
    %scan3A_62 = arith.constant 64 : i32
    %mul3A_63 = arith.constant 16 : i32
    %mul3A_64 = arith.muli %add3A, %mul3A_63 : i32
    "tpu.region"() ({
      %run_scoped3A = tpu.sem_alloc : memref<!tpu.dma_semaphore, #tpu.memory_space<semaphore_mem>>
      %dma_start3A_65 = arith.constant 0 : i32
      %dma_start3A_66 = tpu.memref_slice %arg3[%mul3A_64, %dma_start3A_65] : memref<512x1024xf32, #tpu.memory_space<hbm>> -> memref<16x1024xf32, #tpu.memory_space<hbm>>
      %dma_start3A_67 = arith.constant 0 : i32
      %dma_start3A_68 = tpu.memref_slice %arg3[%mul3A_64, %dma_start3A_67] : memref<512x1024xf32, #tpu.memory_space<hbm>> -> memref<16x1024xf32, #tpu.memory_space<hbm>>
      tpu.enqueue_dma source(%arg4 : memref<16x1024xf32, #tpu.memory_space<vmem>>) target(%dma_start3A_68 : memref<16x1024xf32, #tpu.memory_space<hbm>>) target_semaphore(%run_scoped3A : memref<!tpu.dma_semaphore, #tpu.memory_space<semaphore_mem>>)
      %dma_wait3A_69 = arith.constant 0 : i32
      %dma_wait3A_70 = tpu.memref_slice %arg3[%mul3A_64, %dma_wait3A_69] : memref<512x1024xf32, #tpu.memory_space<hbm>> -> memref<16x1024xf32, #tpu.memory_space<hbm>>
      %dma_wait3A_71 = arith.constant 0 : i32
      %dma_wait3A_72 = tpu.memref_slice %arg3[%mul3A_64, %dma_wait3A_71] : memref<512x1024xf32, #tpu.memory_space<hbm>> -> memref<16x1024xf32, #tpu.memory_space<hbm>>
      tpu.wait_dma2 semaphore(%run_scoped3A : memref<!tpu.dma_semaphore, #tpu.memory_space<semaphore_mem>>) src(%arg4 : memref<16x1024xf32, #tpu.memory_space<vmem>>) dst(%dma_wait3A_72 : memref<16x1024xf32, #tpu.memory_space<hbm>>)
      tpu.yield
    }) : () -> ()
    return
  }
}

module attributes {stable_mosaic.version = 14 : i64} {
  func.func @_tc_low_kernel(%arg0: memref<4x1024x1024xf32, #tpu.memory_space<hbm>>, %arg1: memref<4x1x1024x16xf32, #tpu.memory_space<vmem>>, %arg2: memref<80x80xf32, #tpu.memory_space<vmem>>, %arg3: memref<1x80xf32, #tpu.memory_space<vmem>>, %arg4: memref<16x80xf32, #tpu.memory_space<vmem>>, %arg5: memref<1x16xf32, #tpu.memory_space<vmem>>, %arg6: memref<4x1024x16xf32, #tpu.memory_space<vmem>>, %arg7: memref<4x512x1024xf32, #tpu.memory_space<vmem>>, %arg8: memref<1024x64xf32, #tpu.memory_space<vmem>>, %arg9: memref<2x!tpu.dma_semaphore, #tpu.memory_space<semaphore_mem>>) attributes {dimension_semantics = [], scalar_prefetch = 0 : i64, scratch_operands = 3 : i64, tpu.core_type = #tpu.core_type<tc>} {
    %dma_start3A = arith.constant 0 : i32
    %dma_start3A_0 = tpu.memref_slice %arg9[%dma_start3A] : memref<2x!tpu.dma_semaphore, #tpu.memory_space<semaphore_mem>> -> memref<1x!tpu.dma_semaphore, #tpu.memory_space<semaphore_mem>>
    %dma_start3A_1 = tpu.memref_squeeze %dma_start3A_0 : memref<1x!tpu.dma_semaphore, #tpu.memory_space<semaphore_mem>> -> memref<!tpu.dma_semaphore, #tpu.memory_space<semaphore_mem>>
    %dma_start3A_2 = arith.constant 0 : i32
    %dma_start3A_3 = arith.constant 0 : i32
    %dma_start3A_4 = arith.constant 0 : i32
    %dma_start3A_5 = tpu.memref_slice %arg7[%dma_start3A_2, %dma_start3A_3, %dma_start3A_4] : memref<4x512x1024xf32, #tpu.memory_space<vmem>> -> memref<4x256x1024xf32, #tpu.memory_space<vmem>>
    %dma_start3A_6 = arith.constant 0 : i32
    %dma_start3A_7 = arith.constant 0 : i32
    %dma_start3A_8 = arith.constant 0 : i32
    %dma_start3A_9 = tpu.memref_slice %arg0[%dma_start3A_6, %dma_start3A_7, %dma_start3A_8] : memref<4x1024x1024xf32, #tpu.memory_space<hbm>> -> memref<4x256x1024xf32, #tpu.memory_space<hbm>>
    tpu.enqueue_dma source(%dma_start3A_9 : memref<4x256x1024xf32, #tpu.memory_space<hbm>>) target(%dma_start3A_5 : memref<4x256x1024xf32, #tpu.memory_space<vmem>>) target_semaphore(%dma_start3A_1 : memref<!tpu.dma_semaphore, #tpu.memory_space<semaphore_mem>>)
    %dma_start3A_10 = arith.constant 1 : i32
    %dma_start3A_11 = tpu.memref_slice %arg9[%dma_start3A_10] : memref<2x!tpu.dma_semaphore, #tpu.memory_space<semaphore_mem>> -> memref<1x!tpu.dma_semaphore, #tpu.memory_space<semaphore_mem>>
    %dma_start3A_12 = tpu.memref_squeeze %dma_start3A_11 : memref<1x!tpu.dma_semaphore, #tpu.memory_space<semaphore_mem>> -> memref<!tpu.dma_semaphore, #tpu.memory_space<semaphore_mem>>
    %dma_start3A_13 = arith.constant 0 : i32
    %dma_start3A_14 = arith.constant 256 : i32
    %dma_start3A_15 = arith.constant 0 : i32
    %dma_start3A_16 = tpu.memref_slice %arg7[%dma_start3A_13, %dma_start3A_14, %dma_start3A_15] : memref<4x512x1024xf32, #tpu.memory_space<vmem>> -> memref<4x256x1024xf32, #tpu.memory_space<vmem>>
    %dma_start3A_17 = arith.constant 0 : i32
    %dma_start3A_18 = arith.constant 256 : i32
    %dma_start3A_19 = arith.constant 0 : i32
    %dma_start3A_20 = tpu.memref_slice %arg0[%dma_start3A_17, %dma_start3A_18, %dma_start3A_19] : memref<4x1024x1024xf32, #tpu.memory_space<hbm>> -> memref<4x256x1024xf32, #tpu.memory_space<hbm>>
    tpu.enqueue_dma source(%dma_start3A_20 : memref<4x256x1024xf32, #tpu.memory_space<hbm>>) target(%dma_start3A_16 : memref<4x256x1024xf32, #tpu.memory_space<vmem>>) target_semaphore(%dma_start3A_12 : memref<!tpu.dma_semaphore, #tpu.memory_space<semaphore_mem>>)
    %get3A = arith.constant 0 : index
    %get3A_21 = arith.constant 0 : index
    %get3A_22 = vector.load %arg2[%get3A, %get3A_21] : memref<80x80xf32, #tpu.memory_space<vmem>>, vector<80x80xf32>
    %reshape3A = vector.shape_cast %get3A_22 : vector<80x80xf32> to vector<80x5x16xf32>
    %reduce_sum3A = arith.constant dense<0.000000e+00> : vector<80x16xf32>
    %reduce_sum3A_23 = vector.multi_reduction <add>, %reshape3A, %reduce_sum3A [1] : vector<80x5x16xf32> to vector<80x16xf32>
    %get3A_24 = arith.constant 0 : index
    %get3A_25 = arith.constant 0 : index
    %get3A_26 = vector.load %arg4[%get3A_24, %get3A_25] : memref<16x80xf32, #tpu.memory_space<vmem>>, vector<16x80xf32>
    %dot_general3A = arith.constant dense<0.000000e+00> : vector<16x16xf32>
    %dot_general3A_27 = tpu.matmul %reduce_sum3A_23, %get3A_26, %dot_general3A {dimension_numbers = #tpu.dot_dimension_numbers<[0], [1], [1], [0], [0, 1, 1, 0], [], []>, transpose_lhs_hint = false} : vector<80x16xf32>, vector<16x80xf32>, vector<16x16xf32> -> vector<16x16xf32>
    %get3A_28 = arith.constant 0 : index
    %get3A_29 = arith.constant 0 : index
    %get3A_30 = vector.load %arg3[%get3A_28, %get3A_29] : memref<1x80xf32, #tpu.memory_space<vmem>>, vector<1x80xf32>
    %get3A_31 = arith.constant 0 : index
    %get3A_32 = arith.constant 0 : index
    %get3A_33 = vector.load %arg4[%get3A_31, %get3A_32] : memref<16x80xf32, #tpu.memory_space<vmem>>, vector<16x80xf32>
    %dot_general3A_34 = arith.constant dense<0.000000e+00> : vector<1x16xf32>
    %dot_general3A_35 = tpu.matmul %get3A_30, %get3A_33, %dot_general3A_34 {dimension_numbers = #tpu.dot_dimension_numbers<[1], [1], [0], [0], [0, 0, 1, 0], [], []>, transpose_lhs_hint = false} : vector<1x80xf32>, vector<16x80xf32>, vector<1x16xf32> -> vector<1x16xf32>
    %get3A_36 = arith.constant 0 : index
    %get3A_37 = arith.constant 0 : index
    %get3A_38 = vector.load %arg5[%get3A_36, %get3A_37] : memref<1x16xf32, #tpu.memory_space<vmem>>, vector<1x16xf32>
    %add3A = arith.addf %dot_general3A_35, %get3A_38 : vector<1x16xf32>
    %tile3A = tpu.concatenate %add3A, %add3A, %add3A, %add3A in 1 : vector<1x16xf32>, vector<1x16xf32>, vector<1x16xf32>, vector<1x16xf32> -> vector<1x64xf32>
    %get3A_39 = arith.constant 0 : index
    %get3A_40 = arith.constant 0 : index
    %get3A_41 = arith.constant 0 : index
    %get3A_42 = arith.constant 0 : index
    %get3A_43 = vector.load %arg1[%get3A_39, %get3A_40, %get3A_41, %get3A_42] : memref<4x1x1024x16xf32, #tpu.memory_space<vmem>>, vector<1x1x1024x16xf32>
    %get3A_44 = vector.shape_cast %get3A_43 : vector<1x1x1024x16xf32> to vector<1024x16xf32>
    %dot_general3A_45 = arith.constant dense<0.000000e+00> : vector<1024x16xf32>
    %dot_general3A_46 = tpu.matmul %get3A_44, %dot_general3A_27, %dot_general3A_45 {dimension_numbers = #tpu.dot_dimension_numbers<[1], [0], [0], [1], [0, 0, 1, 1], [], []>, transpose_lhs_hint = false} : vector<1024x16xf32>, vector<16x16xf32>, vector<1024x16xf32> -> vector<1024x16xf32>
    %get3A_47 = arith.constant 1 : index
    %get3A_48 = arith.constant 0 : index
    %get3A_49 = arith.constant 0 : index
    %get3A_50 = arith.constant 0 : index
    %get3A_51 = vector.load %arg1[%get3A_47, %get3A_48, %get3A_49, %get3A_50] : memref<4x1x1024x16xf32, #tpu.memory_space<vmem>>, vector<1x1x1024x16xf32>
    %get3A_52 = vector.shape_cast %get3A_51 : vector<1x1x1024x16xf32> to vector<1024x16xf32>
    %dot_general3A_53 = arith.constant dense<0.000000e+00> : vector<1024x16xf32>
    %dot_general3A_54 = tpu.matmul %get3A_52, %dot_general3A_27, %dot_general3A_53 {dimension_numbers = #tpu.dot_dimension_numbers<[1], [0], [0], [1], [0, 0, 1, 1], [], []>, transpose_lhs_hint = false} : vector<1024x16xf32>, vector<16x16xf32>, vector<1024x16xf32> -> vector<1024x16xf32>
    %get3A_55 = arith.constant 2 : index
    %get3A_56 = arith.constant 0 : index
    %get3A_57 = arith.constant 0 : index
    %get3A_58 = arith.constant 0 : index
    %get3A_59 = vector.load %arg1[%get3A_55, %get3A_56, %get3A_57, %get3A_58] : memref<4x1x1024x16xf32, #tpu.memory_space<vmem>>, vector<1x1x1024x16xf32>
    %get3A_60 = vector.shape_cast %get3A_59 : vector<1x1x1024x16xf32> to vector<1024x16xf32>
    %dot_general3A_61 = arith.constant dense<0.000000e+00> : vector<1024x16xf32>
    %dot_general3A_62 = tpu.matmul %get3A_60, %dot_general3A_27, %dot_general3A_61 {dimension_numbers = #tpu.dot_dimension_numbers<[1], [0], [0], [1], [0, 0, 1, 1], [], []>, transpose_lhs_hint = false} : vector<1024x16xf32>, vector<16x16xf32>, vector<1024x16xf32> -> vector<1024x16xf32>
    %get3A_63 = arith.constant 3 : index
    %get3A_64 = arith.constant 0 : index
    %get3A_65 = arith.constant 0 : index
    %get3A_66 = arith.constant 0 : index
    %get3A_67 = vector.load %arg1[%get3A_63, %get3A_64, %get3A_65, %get3A_66] : memref<4x1x1024x16xf32, #tpu.memory_space<vmem>>, vector<1x1x1024x16xf32>
    %get3A_68 = vector.shape_cast %get3A_67 : vector<1x1x1024x16xf32> to vector<1024x16xf32>
    %dot_general3A_69 = arith.constant dense<0.000000e+00> : vector<1024x16xf32>
    %dot_general3A_70 = tpu.matmul %get3A_68, %dot_general3A_27, %dot_general3A_69 {dimension_numbers = #tpu.dot_dimension_numbers<[1], [0], [0], [1], [0, 0, 1, 1], [], []>, transpose_lhs_hint = false} : vector<1024x16xf32>, vector<16x16xf32>, vector<1024x16xf32> -> vector<1024x16xf32>
    %concatenate3A = tpu.concatenate %dot_general3A_46, %dot_general3A_54, %dot_general3A_62, %dot_general3A_70 in 1 : vector<1024x16xf32>, vector<1024x16xf32>, vector<1024x16xf32>, vector<1024x16xf32> -> vector<1024x64xf32>
    %swap3A = arith.constant 0 : index
    %swap3A_71 = arith.constant 0 : index
    %swap3A_72 = vector.load %arg8[%swap3A, %swap3A_71] : memref<1024x64xf32, #tpu.memory_space<vmem>>, vector<1024x64xf32>
    tpu.vector_store %arg8[%swap3A, %swap3A_71], %concatenate3A {strides = array<i32>} : memref<1024x64xf32, #tpu.memory_space<vmem>>, vector<1024x64xf32>,
    %dma_wait3A = arith.constant 0 : i32
    %dma_wait3A_73 = tpu.memref_slice %arg9[%dma_wait3A] : memref<2x!tpu.dma_semaphore, #tpu.memory_space<semaphore_mem>> -> memref<1x!tpu.dma_semaphore, #tpu.memory_space<semaphore_mem>>
    %dma_wait3A_74 = tpu.memref_squeeze %dma_wait3A_73 : memref<1x!tpu.dma_semaphore, #tpu.memory_space<semaphore_mem>> -> memref<!tpu.dma_semaphore, #tpu.memory_space<semaphore_mem>>
    %dma_wait3A_75 = arith.constant 0 : i32
    %dma_wait3A_76 = arith.constant 0 : i32
    %dma_wait3A_77 = arith.constant 0 : i32
    %dma_wait3A_78 = tpu.memref_slice %arg7[%dma_wait3A_75, %dma_wait3A_76, %dma_wait3A_77] : memref<4x512x1024xf32, #tpu.memory_space<vmem>> -> memref<4x256x1024xf32, #tpu.memory_space<vmem>>
    %dma_wait3A_79 = arith.constant 0 : i32
    %dma_wait3A_80 = arith.constant 0 : i32
    %dma_wait3A_81 = arith.constant 0 : i32
    %dma_wait3A_82 = tpu.memref_slice %arg0[%dma_wait3A_79, %dma_wait3A_80, %dma_wait3A_81] : memref<4x1024x1024xf32, #tpu.memory_space<hbm>> -> memref<4x256x1024xf32, #tpu.memory_space<hbm>>
    tpu.wait_dma2 semaphore(%dma_wait3A_74 : memref<!tpu.dma_semaphore, #tpu.memory_space<semaphore_mem>>) src(%dma_wait3A_82 : memref<4x256x1024xf32, #tpu.memory_space<hbm>>) dst(%dma_wait3A_78 : memref<4x256x1024xf32, #tpu.memory_space<vmem>>)
    %get3A_83 = arith.constant 0 : index
    %get3A_84 = arith.constant 0 : index
    %get3A_85 = arith.constant 0 : index
    %get3A_86 = vector.load %arg7[%get3A_83, %get3A_84, %get3A_85] : memref<4x512x1024xf32, #tpu.memory_space<vmem>>, vector<1x256x1024xf32>
    %get3A_87 = vector.shape_cast %get3A_86 : vector<1x256x1024xf32> to vector<256x1024xf32>
    %get3A_88 = arith.constant 1 : index
    %get3A_89 = arith.constant 0 : index
    %get3A_90 = arith.constant 0 : index
    %get3A_91 = vector.load %arg7[%get3A_88, %get3A_89, %get3A_90] : memref<4x512x1024xf32, #tpu.memory_space<vmem>>, vector<1x256x1024xf32>
    %get3A_92 = vector.shape_cast %get3A_91 : vector<1x256x1024xf32> to vector<256x1024xf32>
    %add3A_93 = arith.addf %get3A_87, %get3A_92 : vector<256x1024xf32>
    %get3A_94 = arith.constant 2 : index
    %get3A_95 = arith.constant 0 : index
    %get3A_96 = arith.constant 0 : index
    %get3A_97 = vector.load %arg7[%get3A_94, %get3A_95, %get3A_96] : memref<4x512x1024xf32, #tpu.memory_space<vmem>>, vector<1x256x1024xf32>
    %get3A_98 = vector.shape_cast %get3A_97 : vector<1x256x1024xf32> to vector<256x1024xf32>
    %get3A_99 = arith.constant 3 : index
    %get3A_100 = arith.constant 0 : index
    %get3A_101 = arith.constant 0 : index
    %get3A_102 = vector.load %arg7[%get3A_99, %get3A_100, %get3A_101] : memref<4x512x1024xf32, #tpu.memory_space<vmem>>, vector<1x256x1024xf32>
    %get3A_103 = vector.shape_cast %get3A_102 : vector<1x256x1024xf32> to vector<256x1024xf32>
    %add3A_104 = arith.addf %get3A_98, %get3A_103 : vector<256x1024xf32>
    %add3A_105 = arith.addf %add3A_93, %add3A_104 : vector<256x1024xf32>
    %get3A_106 = arith.constant 0 : index
    %get3A_107 = arith.constant 0 : index
    %get3A_108 = vector.load %arg8[%get3A_106, %get3A_107] : memref<1024x64xf32, #tpu.memory_space<vmem>>, vector<1024x64xf32>
    %dot_general3A_109 = arith.constant dense<0.000000e+00> : vector<256x64xf32>
    %dot_general3A_110 = tpu.matmul %add3A_105, %get3A_108, %dot_general3A_109 {dimension_numbers = #tpu.dot_dimension_numbers<[1], [0], [0], [1], [0, 0, 1, 1], [], []>, transpose_lhs_hint = false} : vector<256x1024xf32>, vector<1024x64xf32>, vector<256x64xf32> -> vector<256x64xf32>
    %add3A_111 = vector.broadcast %tile3A : vector<1x64xf32> to vector<256x64xf32>
    %add3A_112 = arith.addf %dot_general3A_110, %add3A_111 : vector<256x64xf32>
    %slice3A = vector.extract_strided_slice %add3A_112 {offsets = [0, 0], sizes = [256, 16], strides = [1, 1]} : vector<256x64xf32> to vector<256x16xf32>
    %swap3A_113 = arith.constant 0 : index
    %swap3A_114 = arith.constant 0 : index
    %swap3A_115 = arith.constant 0 : index
    %swap3A_116 = vector.load %arg6[%swap3A_113, %swap3A_114, %swap3A_115] : memref<4x1024x16xf32, #tpu.memory_space<vmem>>, vector<1x256x16xf32>
    %swap3A_117 = vector.shape_cast %swap3A_116 : vector<1x256x16xf32> to vector<256x16xf32>
    %swap3A_118 = vector.shape_cast %slice3A : vector<256x16xf32> to vector<1x256x16xf32>
    tpu.vector_store %arg6[%swap3A_113, %swap3A_114, %swap3A_115], %swap3A_118 {strides = array<i32>} : memref<4x1024x16xf32, #tpu.memory_space<vmem>>, vector<1x256x16xf32>,
    %slice3A_119 = vector.extract_strided_slice %add3A_112 {offsets = [0, 16], sizes = [256, 16], strides = [1, 1]} : vector<256x64xf32> to vector<256x16xf32>
    %swap3A_120 = arith.constant 1 : index
    %swap3A_121 = arith.constant 0 : index
    %swap3A_122 = arith.constant 0 : index
    %swap3A_123 = vector.load %arg6[%swap3A_120, %swap3A_121, %swap3A_122] : memref<4x1024x16xf32, #tpu.memory_space<vmem>>, vector<1x256x16xf32>
    %swap3A_124 = vector.shape_cast %swap3A_123 : vector<1x256x16xf32> to vector<256x16xf32>
    %swap3A_125 = vector.shape_cast %slice3A_119 : vector<256x16xf32> to vector<1x256x16xf32>
    tpu.vector_store %arg6[%swap3A_120, %swap3A_121, %swap3A_122], %swap3A_125 {strides = array<i32>} : memref<4x1024x16xf32, #tpu.memory_space<vmem>>, vector<1x256x16xf32>,
    %slice3A_126 = vector.extract_strided_slice %add3A_112 {offsets = [0, 32], sizes = [256, 16], strides = [1, 1]} : vector<256x64xf32> to vector<256x16xf32>
    %swap3A_127 = arith.constant 2 : index
    %swap3A_128 = arith.constant 0 : index
    %swap3A_129 = arith.constant 0 : index
    %swap3A_130 = vector.load %arg6[%swap3A_127, %swap3A_128, %swap3A_129] : memref<4x1024x16xf32, #tpu.memory_space<vmem>>, vector<1x256x16xf32>
    %swap3A_131 = vector.shape_cast %swap3A_130 : vector<1x256x16xf32> to vector<256x16xf32>
    %swap3A_132 = vector.shape_cast %slice3A_126 : vector<256x16xf32> to vector<1x256x16xf32>
    tpu.vector_store %arg6[%swap3A_127, %swap3A_128, %swap3A_129], %swap3A_132 {strides = array<i32>} : memref<4x1024x16xf32, #tpu.memory_space<vmem>>, vector<1x256x16xf32>,
    %slice3A_133 = vector.extract_strided_slice %add3A_112 {offsets = [0, 48], sizes = [256, 16], strides = [1, 1]} : vector<256x64xf32> to vector<256x16xf32>
    %swap3A_134 = arith.constant 3 : index
    %swap3A_135 = arith.constant 0 : index
    %swap3A_136 = arith.constant 0 : index
    %swap3A_137 = vector.load %arg6[%swap3A_134, %swap3A_135, %swap3A_136] : memref<4x1024x16xf32, #tpu.memory_space<vmem>>, vector<1x256x16xf32>
    %swap3A_138 = vector.shape_cast %swap3A_137 : vector<1x256x16xf32> to vector<256x16xf32>
    %swap3A_139 = vector.shape_cast %slice3A_133 : vector<256x16xf32> to vector<1x256x16xf32>
    tpu.vector_store %arg6[%swap3A_134, %swap3A_135, %swap3A_136], %swap3A_139 {strides = array<i32>} : memref<4x1024x16xf32, #tpu.memory_space<vmem>>, vector<1x256x16xf32>,
    %dma_wait3A_140 = arith.constant 1 : i32
    %dma_wait3A_141 = tpu.memref_slice %arg9[%dma_wait3A_140] : memref<2x!tpu.dma_semaphore, #tpu.memory_space<semaphore_mem>> -> memref<1x!tpu.dma_semaphore, #tpu.memory_space<semaphore_mem>>
    %dma_wait3A_142 = tpu.memref_squeeze %dma_wait3A_141 : memref<1x!tpu.dma_semaphore, #tpu.memory_space<semaphore_mem>> -> memref<!tpu.dma_semaphore, #tpu.memory_space<semaphore_mem>>
    %dma_wait3A_143 = arith.constant 0 : i32
    %dma_wait3A_144 = arith.constant 256 : i32
    %dma_wait3A_145 = arith.constant 0 : i32
    %dma_wait3A_146 = tpu.memref_slice %arg7[%dma_wait3A_143, %dma_wait3A_144, %dma_wait3A_145] : memref<4x512x1024xf32, #tpu.memory_space<vmem>> -> memref<4x256x1024xf32, #tpu.memory_space<vmem>>
    %dma_wait3A_147 = arith.constant 0 : i32
    %dma_wait3A_148 = arith.constant 256 : i32
    %dma_wait3A_149 = arith.constant 0 : i32
    %dma_wait3A_150 = tpu.memref_slice %arg0[%dma_wait3A_147, %dma_wait3A_148, %dma_wait3A_149] : memref<4x1024x1024xf32, #tpu.memory_space<hbm>> -> memref<4x256x1024xf32, #tpu.memory_space<hbm>>
    tpu.wait_dma2 semaphore(%dma_wait3A_142 : memref<!tpu.dma_semaphore, #tpu.memory_space<semaphore_mem>>) src(%dma_wait3A_150 : memref<4x256x1024xf32, #tpu.memory_space<hbm>>) dst(%dma_wait3A_146 : memref<4x256x1024xf32, #tpu.memory_space<vmem>>)
    %get3A_151 = arith.constant 0 : index
    %get3A_152 = arith.constant 256 : index
    %get3A_153 = arith.constant 0 : index
    %get3A_154 = vector.load %arg7[%get3A_151, %get3A_152, %get3A_153] : memref<4x512x1024xf32, #tpu.memory_space<vmem>>, vector<1x256x1024xf32>
    %get3A_155 = vector.shape_cast %get3A_154 : vector<1x256x1024xf32> to vector<256x1024xf32>
    %get3A_156 = arith.constant 1 : index
    %get3A_157 = arith.constant 256 : index
    %get3A_158 = arith.constant 0 : index
    %get3A_159 = vector.load %arg7[%get3A_156, %get3A_157, %get3A_158] : memref<4x512x1024xf32, #tpu.memory_space<vmem>>, vector<1x256x1024xf32>
    %get3A_160 = vector.shape_cast %get3A_159 : vector<1x256x1024xf32> to vector<256x1024xf32>
    %add3A_161 = arith.addf %get3A_155, %get3A_160 : vector<256x1024xf32>
    %get3A_162 = arith.constant 2 : index
    %get3A_163 = arith.constant 256 : index
    %get3A_164 = arith.constant 0 : index
    %get3A_165 = vector.load %arg7[%get3A_162, %get3A_163, %get3A_164] : memref<4x512x1024xf32, #tpu.memory_space<vmem>>, vector<1x256x1024xf32>
    %get3A_166 = vector.shape_cast %get3A_165 : vector<1x256x1024xf32> to vector<256x1024xf32>
    %get3A_167 = arith.constant 3 : index
    %get3A_168 = arith.constant 256 : index
    %get3A_169 = arith.constant 0 : index
    %get3A_170 = vector.load %arg7[%get3A_167, %get3A_168, %get3A_169] : memref<4x512x1024xf32, #tpu.memory_space<vmem>>, vector<1x256x1024xf32>
    %get3A_171 = vector.shape_cast %get3A_170 : vector<1x256x1024xf32> to vector<256x1024xf32>
    %add3A_172 = arith.addf %get3A_166, %get3A_171 : vector<256x1024xf32>
    %add3A_173 = arith.addf %add3A_161, %add3A_172 : vector<256x1024xf32>
    %get3A_174 = arith.constant 0 : index
    %get3A_175 = arith.constant 0 : index
    %get3A_176 = vector.load %arg8[%get3A_174, %get3A_175] : memref<1024x64xf32, #tpu.memory_space<vmem>>, vector<1024x64xf32>
    %dot_general3A_177 = arith.constant dense<0.000000e+00> : vector<256x64xf32>
    %dot_general3A_178 = tpu.matmul %add3A_173, %get3A_176, %dot_general3A_177 {dimension_numbers = #tpu.dot_dimension_numbers<[1], [0], [0], [1], [0, 0, 1, 1], [], []>, transpose_lhs_hint = false} : vector<256x1024xf32>, vector<1024x64xf32>, vector<256x64xf32> -> vector<256x64xf32>
    %add3A_179 = vector.broadcast %tile3A : vector<1x64xf32> to vector<256x64xf32>
    %add3A_180 = arith.addf %dot_general3A_178, %add3A_179 : vector<256x64xf32>
    %slice3A_181 = vector.extract_strided_slice %add3A_180 {offsets = [0, 0], sizes = [256, 16], strides = [1, 1]} : vector<256x64xf32> to vector<256x16xf32>
    %swap3A_182 = arith.constant 0 : index
    %swap3A_183 = arith.constant 256 : index
    %swap3A_184 = arith.constant 0 : index
    %swap3A_185 = vector.load %arg6[%swap3A_182, %swap3A_183, %swap3A_184] : memref<4x1024x16xf32, #tpu.memory_space<vmem>>, vector<1x256x16xf32>
    %swap3A_186 = vector.shape_cast %swap3A_185 : vector<1x256x16xf32> to vector<256x16xf32>
    %swap3A_187 = vector.shape_cast %slice3A_181 : vector<256x16xf32> to vector<1x256x16xf32>
    tpu.vector_store %arg6[%swap3A_182, %swap3A_183, %swap3A_184], %swap3A_187 {strides = array<i32>} : memref<4x1024x16xf32, #tpu.memory_space<vmem>>, vector<1x256x16xf32>,
    %slice3A_188 = vector.extract_strided_slice %add3A_180 {offsets = [0, 16], sizes = [256, 16], strides = [1, 1]} : vector<256x64xf32> to vector<256x16xf32>
    %swap3A_189 = arith.constant 1 : index
    %swap3A_190 = arith.constant 256 : index
    %swap3A_191 = arith.constant 0 : index
    %swap3A_192 = vector.load %arg6[%swap3A_189, %swap3A_190, %swap3A_191] : memref<4x1024x16xf32, #tpu.memory_space<vmem>>, vector<1x256x16xf32>
    %swap3A_193 = vector.shape_cast %swap3A_192 : vector<1x256x16xf32> to vector<256x16xf32>
    %swap3A_194 = vector.shape_cast %slice3A_188 : vector<256x16xf32> to vector<1x256x16xf32>
    tpu.vector_store %arg6[%swap3A_189, %swap3A_190, %swap3A_191], %swap3A_194 {strides = array<i32>} : memref<4x1024x16xf32, #tpu.memory_space<vmem>>, vector<1x256x16xf32>,
    %slice3A_195 = vector.extract_strided_slice %add3A_180 {offsets = [0, 32], sizes = [256, 16], strides = [1, 1]} : vector<256x64xf32> to vector<256x16xf32>
    %swap3A_196 = arith.constant 2 : index
    %swap3A_197 = arith.constant 256 : index
    %swap3A_198 = arith.constant 0 : index
    %swap3A_199 = vector.load %arg6[%swap3A_196, %swap3A_197, %swap3A_198] : memref<4x1024x16xf32, #tpu.memory_space<vmem>>, vector<1x256x16xf32>
    %swap3A_200 = vector.shape_cast %swap3A_199 : vector<1x256x16xf32> to vector<256x16xf32>
    %swap3A_201 = vector.shape_cast %slice3A_195 : vector<256x16xf32> to vector<1x256x16xf32>
    tpu.vector_store %arg6[%swap3A_196, %swap3A_197, %swap3A_198], %swap3A_201 {strides = array<i32>} : memref<4x1024x16xf32, #tpu.memory_space<vmem>>, vector<1x256x16xf32>,
    %slice3A_202 = vector.extract_strided_slice %add3A_180 {offsets = [0, 48], sizes = [256, 16], strides = [1, 1]} : vector<256x64xf32> to vector<256x16xf32>
    %swap3A_203 = arith.constant 3 : index
    %swap3A_204 = arith.constant 256 : index
    %swap3A_205 = arith.constant 0 : index
    %swap3A_206 = vector.load %arg6[%swap3A_203, %swap3A_204, %swap3A_205] : memref<4x1024x16xf32, #tpu.memory_space<vmem>>, vector<1x256x16xf32>
    %swap3A_207 = vector.shape_cast %swap3A_206 : vector<1x256x16xf32> to vector<256x16xf32>
    %swap3A_208 = vector.shape_cast %slice3A_202 : vector<256x16xf32> to vector<1x256x16xf32>
    tpu.vector_store %arg6[%swap3A_203, %swap3A_204, %swap3A_205], %swap3A_208 {strides = array<i32>} : memref<4x1024x16xf32, #tpu.memory_space<vmem>>, vector<1x256x16xf32>,
    return
  }
}

module attributes {stable_mosaic.version = 14 : i64} {
  func.func @_tc_high_kernel(%arg0: memref<4x1024x16xf32, #tpu.memory_space<vmem>>, %arg1: memref<512x1024xf32, #tpu.memory_space<vmem>>, %arg2: memref<4x1x1024x16xf32, #tpu.memory_space<vmem>>, %arg3: memref<80x80xf32, #tpu.memory_space<vmem>>, %arg4: memref<1x80xf32, #tpu.memory_space<vmem>>, %arg5: memref<16x80xf32, #tpu.memory_space<vmem>>, %arg6: memref<1x16xf32, #tpu.memory_space<vmem>>, %arg7: memref<4x1024x16xf32, #tpu.memory_space<vmem>>, %arg8: memref<1024x64xf32, #tpu.memory_space<vmem>>) attributes {dimension_semantics = [], scalar_prefetch = 0 : i64, scratch_operands = 1 : i64, tpu.core_type = #tpu.core_type<tc>} {
    %get3A = arith.constant 0 : index
    %get3A_0 = arith.constant 0 : index
    %get3A_1 = arith.constant 0 : index
    %get3A_2 = vector.load %arg0[%get3A, %get3A_0, %get3A_1] : memref<4x1024x16xf32, #tpu.memory_space<vmem>>, vector<4x1024x16xf32>
    %swap3A = arith.constant 0 : index
    %swap3A_3 = arith.constant 0 : index
    %swap3A_4 = arith.constant 0 : index
    %swap3A_5 = vector.load %arg7[%swap3A, %swap3A_3, %swap3A_4] : memref<4x1024x16xf32, #tpu.memory_space<vmem>>, vector<4x1024x16xf32>
    tpu.vector_store %arg7[%swap3A, %swap3A_3, %swap3A_4], %get3A_2 {strides = array<i32>} : memref<4x1024x16xf32, #tpu.memory_space<vmem>>, vector<4x1024x16xf32>,
    %get3A_6 = arith.constant 0 : index
    %get3A_7 = arith.constant 0 : index
    %get3A_8 = vector.load %arg3[%get3A_6, %get3A_7] : memref<80x80xf32, #tpu.memory_space<vmem>>, vector<80x80xf32>
    %reshape3A = vector.shape_cast %get3A_8 : vector<80x80xf32> to vector<80x5x16xf32>
    %reduce_sum3A = arith.constant dense<0.000000e+00> : vector<80x16xf32>
    %reduce_sum3A_9 = vector.multi_reduction <add>, %reshape3A, %reduce_sum3A [1] : vector<80x5x16xf32> to vector<80x16xf32>
    %get3A_10 = arith.constant 0 : index
    %get3A_11 = arith.constant 0 : index
    %get3A_12 = vector.load %arg5[%get3A_10, %get3A_11] : memref<16x80xf32, #tpu.memory_space<vmem>>, vector<16x80xf32>
    %dot_general3A = arith.constant dense<0.000000e+00> : vector<16x16xf32>
    %dot_general3A_13 = tpu.matmul %reduce_sum3A_9, %get3A_12, %dot_general3A {dimension_numbers = #tpu.dot_dimension_numbers<[0], [1], [1], [0], [0, 1, 1, 0], [], []>, transpose_lhs_hint = false} : vector<80x16xf32>, vector<16x80xf32>, vector<16x16xf32> -> vector<16x16xf32>
    %get3A_14 = arith.constant 0 : index
    %get3A_15 = arith.constant 0 : index
    %get3A_16 = vector.load %arg4[%get3A_14, %get3A_15] : memref<1x80xf32, #tpu.memory_space<vmem>>, vector<1x80xf32>
    %get3A_17 = arith.constant 0 : index
    %get3A_18 = arith.constant 0 : index
    %get3A_19 = vector.load %arg5[%get3A_17, %get3A_18] : memref<16x80xf32, #tpu.memory_space<vmem>>, vector<16x80xf32>
    %dot_general3A_20 = arith.constant dense<0.000000e+00> : vector<1x16xf32>
    %dot_general3A_21 = tpu.matmul %get3A_16, %get3A_19, %dot_general3A_20 {dimension_numbers = #tpu.dot_dimension_numbers<[1], [1], [0], [0], [0, 0, 1, 0], [], []>, transpose_lhs_hint = false} : vector<1x80xf32>, vector<16x80xf32>, vector<1x16xf32> -> vector<1x16xf32>
    %get3A_22 = arith.constant 0 : index
    %get3A_23 = arith.constant 0 : index
    %get3A_24 = vector.load %arg6[%get3A_22, %get3A_23] : memref<1x16xf32, #tpu.memory_space<vmem>>, vector<1x16xf32>
    %add3A = arith.addf %dot_general3A_21, %get3A_24 : vector<1x16xf32>
    %tile3A = tpu.concatenate %add3A, %add3A, %add3A, %add3A in 1 : vector<1x16xf32>, vector<1x16xf32>, vector<1x16xf32>, vector<1x16xf32> -> vector<1x64xf32>
    %get3A_25 = arith.constant 0 : index
    %get3A_26 = arith.constant 0 : index
    %get3A_27 = arith.constant 0 : index
    %get3A_28 = arith.constant 0 : index
    %get3A_29 = vector.load %arg2[%get3A_25, %get3A_26, %get3A_27, %get3A_28] : memref<4x1x1024x16xf32, #tpu.memory_space<vmem>>, vector<1x1x1024x16xf32>
    %get3A_30 = vector.shape_cast %get3A_29 : vector<1x1x1024x16xf32> to vector<1024x16xf32>
    %dot_general3A_31 = arith.constant dense<0.000000e+00> : vector<1024x16xf32>
    %dot_general3A_32 = tpu.matmul %get3A_30, %dot_general3A_13, %dot_general3A_31 {dimension_numbers = #tpu.dot_dimension_numbers<[1], [0], [0], [1], [0, 0, 1, 1], [], []>, transpose_lhs_hint = false} : vector<1024x16xf32>, vector<16x16xf32>, vector<1024x16xf32> -> vector<1024x16xf32>
    %get3A_33 = arith.constant 1 : index
    %get3A_34 = arith.constant 0 : index
    %get3A_35 = arith.constant 0 : index
    %get3A_36 = arith.constant 0 : index
    %get3A_37 = vector.load %arg2[%get3A_33, %get3A_34, %get3A_35, %get3A_36] : memref<4x1x1024x16xf32, #tpu.memory_space<vmem>>, vector<1x1x1024x16xf32>
    %get3A_38 = vector.shape_cast %get3A_37 : vector<1x1x1024x16xf32> to vector<1024x16xf32>
    %dot_general3A_39 = arith.constant dense<0.000000e+00> : vector<1024x16xf32>
    %dot_general3A_40 = tpu.matmul %get3A_38, %dot_general3A_13, %dot_general3A_39 {dimension_numbers = #tpu.dot_dimension_numbers<[1], [0], [0], [1], [0, 0, 1, 1], [], []>, transpose_lhs_hint = false} : vector<1024x16xf32>, vector<16x16xf32>, vector<1024x16xf32> -> vector<1024x16xf32>
    %get3A_41 = arith.constant 2 : index
    %get3A_42 = arith.constant 0 : index
    %get3A_43 = arith.constant 0 : index
    %get3A_44 = arith.constant 0 : index
    %get3A_45 = vector.load %arg2[%get3A_41, %get3A_42, %get3A_43, %get3A_44] : memref<4x1x1024x16xf32, #tpu.memory_space<vmem>>, vector<1x1x1024x16xf32>
    %get3A_46 = vector.shape_cast %get3A_45 : vector<1x1x1024x16xf32> to vector<1024x16xf32>
    %dot_general3A_47 = arith.constant dense<0.000000e+00> : vector<1024x16xf32>
    %dot_general3A_48 = tpu.matmul %get3A_46, %dot_general3A_13, %dot_general3A_47 {dimension_numbers = #tpu.dot_dimension_numbers<[1], [0], [0], [1], [0, 0, 1, 1], [], []>, transpose_lhs_hint = false} : vector<1024x16xf32>, vector<16x16xf32>, vector<1024x16xf32> -> vector<1024x16xf32>
    %get3A_49 = arith.constant 3 : index
    %get3A_50 = arith.constant 0 : index
    %get3A_51 = arith.constant 0 : index
    %get3A_52 = arith.constant 0 : index
    %get3A_53 = vector.load %arg2[%get3A_49, %get3A_50, %get3A_51, %get3A_52] : memref<4x1x1024x16xf32, #tpu.memory_space<vmem>>, vector<1x1x1024x16xf32>
    %get3A_54 = vector.shape_cast %get3A_53 : vector<1x1x1024x16xf32> to vector<1024x16xf32>
    %dot_general3A_55 = arith.constant dense<0.000000e+00> : vector<1024x16xf32>
    %dot_general3A_56 = tpu.matmul %get3A_54, %dot_general3A_13, %dot_general3A_55 {dimension_numbers = #tpu.dot_dimension_numbers<[1], [0], [0], [1], [0, 0, 1, 1], [], []>, transpose_lhs_hint = false} : vector<1024x16xf32>, vector<16x16xf32>, vector<1024x16xf32> -> vector<1024x16xf32>
    %concatenate3A = tpu.concatenate %dot_general3A_32, %dot_general3A_40, %dot_general3A_48, %dot_general3A_56 in 1 : vector<1024x16xf32>, vector<1024x16xf32>, vector<1024x16xf32>, vector<1024x16xf32> -> vector<1024x64xf32>
    %swap3A_57 = arith.constant 0 : index
    %swap3A_58 = arith.constant 0 : index
    %swap3A_59 = vector.load %arg8[%swap3A_57, %swap3A_58] : memref<1024x64xf32, #tpu.memory_space<vmem>>, vector<1024x64xf32>
    tpu.vector_store %arg8[%swap3A_57, %swap3A_58], %concatenate3A {strides = array<i32>} : memref<1024x64xf32, #tpu.memory_space<vmem>>, vector<1024x64xf32>,
    %get3A_60 = arith.constant 0 : index
    %get3A_61 = arith.constant 0 : index
    %get3A_62 = vector.load %arg1[%get3A_60, %get3A_61] : memref<512x1024xf32, #tpu.memory_space<vmem>>, vector<512x1024xf32>
    %get3A_63 = arith.constant 0 : index
    %get3A_64 = arith.constant 0 : index
    %get3A_65 = vector.load %arg8[%get3A_63, %get3A_64] : memref<1024x64xf32, #tpu.memory_space<vmem>>, vector<1024x64xf32>
    %dot_general3A_66 = arith.constant dense<0.000000e+00> : vector<512x64xf32>
    %dot_general3A_67 = tpu.matmul %get3A_62, %get3A_65, %dot_general3A_66 {dimension_numbers = #tpu.dot_dimension_numbers<[1], [0], [0], [1], [0, 0, 1, 1], [], []>, transpose_lhs_hint = false} : vector<512x1024xf32>, vector<1024x64xf32>, vector<512x64xf32> -> vector<512x64xf32>
    %add3A_68 = vector.broadcast %tile3A : vector<1x64xf32> to vector<512x64xf32>
    %add3A_69 = arith.addf %dot_general3A_67, %add3A_68 : vector<512x64xf32>
    %slice3A = vector.extract_strided_slice %add3A_69 {offsets = [0, 0], sizes = [512, 16], strides = [1, 1]} : vector<512x64xf32> to vector<512x16xf32>
    %swap3A_70 = arith.constant 0 : index
    %swap3A_71 = arith.constant 512 : index
    %swap3A_72 = arith.constant 0 : index
    %swap3A_73 = vector.load %arg7[%swap3A_70, %swap3A_71, %swap3A_72] : memref<4x1024x16xf32, #tpu.memory_space<vmem>>, vector<1x512x16xf32>
    %swap3A_74 = vector.shape_cast %swap3A_73 : vector<1x512x16xf32> to vector<512x16xf32>
    %swap3A_75 = vector.shape_cast %slice3A : vector<512x16xf32> to vector<1x512x16xf32>
    tpu.vector_store %arg7[%swap3A_70, %swap3A_71, %swap3A_72], %swap3A_75 {strides = array<i32>} : memref<4x1024x16xf32, #tpu.memory_space<vmem>>, vector<1x512x16xf32>,
    %slice3A_76 = vector.extract_strided_slice %add3A_69 {offsets = [0, 16], sizes = [512, 16], strides = [1, 1]} : vector<512x64xf32> to vector<512x16xf32>
    %swap3A_77 = arith.constant 1 : index
    %swap3A_78 = arith.constant 512 : index
    %swap3A_79 = arith.constant 0 : index
    %swap3A_80 = vector.load %arg7[%swap3A_77, %swap3A_78, %swap3A_79] : memref<4x1024x16xf32, #tpu.memory_space<vmem>>, vector<1x512x16xf32>
    %swap3A_81 = vector.shape_cast %swap3A_80 : vector<1x512x16xf32> to vector<512x16xf32>
    %swap3A_82 = vector.shape_cast %slice3A_76 : vector<512x16xf32> to vector<1x512x16xf32>
    tpu.vector_store %arg7[%swap3A_77, %swap3A_78, %swap3A_79], %swap3A_82 {strides = array<i32>} : memref<4x1024x16xf32, #tpu.memory_space<vmem>>, vector<1x512x16xf32>,
    %slice3A_83 = vector.extract_strided_slice %add3A_69 {offsets = [0, 32], sizes = [512, 16], strides = [1, 1]} : vector<512x64xf32> to vector<512x16xf32>
    %swap3A_84 = arith.constant 2 : index
    %swap3A_85 = arith.constant 512 : index
    %swap3A_86 = arith.constant 0 : index
    %swap3A_87 = vector.load %arg7[%swap3A_84, %swap3A_85, %swap3A_86] : memref<4x1024x16xf32, #tpu.memory_space<vmem>>, vector<1x512x16xf32>
    %swap3A_88 = vector.shape_cast %swap3A_87 : vector<1x512x16xf32> to vector<512x16xf32>
    %swap3A_89 = vector.shape_cast %slice3A_83 : vector<512x16xf32> to vector<1x512x16xf32>
    tpu.vector_store %arg7[%swap3A_84, %swap3A_85, %swap3A_86], %swap3A_89 {strides = array<i32>} : memref<4x1024x16xf32, #tpu.memory_space<vmem>>, vector<1x512x16xf32>,
    %slice3A_90 = vector.extract_strided_slice %add3A_69 {offsets = [0, 48], sizes = [512, 16], strides = [1, 1]} : vector<512x64xf32> to vector<512x16xf32>
    %swap3A_91 = arith.constant 3 : index
    %swap3A_92 = arith.constant 512 : index
    %swap3A_93 = arith.constant 0 : index
    %swap3A_94 = vector.load %arg7[%swap3A_91, %swap3A_92, %swap3A_93] : memref<4x1024x16xf32, #tpu.memory_space<vmem>>, vector<1x512x16xf32>
    %swap3A_95 = vector.shape_cast %swap3A_94 : vector<1x512x16xf32> to vector<512x16xf32>
    %swap3A_96 = vector.shape_cast %slice3A_90 : vector<512x16xf32> to vector<1x512x16xf32>
    tpu.vector_store %arg7[%swap3A_91, %swap3A_92, %swap3A_93], %swap3A_96 {strides = array<i32>} : memref<4x1024x16xf32, #tpu.memory_space<vmem>>, vector<1x512x16xf32>,
    return
  }
}

</mosaic_0001>

<sc_bundles>
// kernel: kernel.5.cloned.1.call-start
scs
__scs_entry_jumppad:
0x0: {  	(pc) =	sbr.rel $0x88, $3  }
0x1: {  	(tag) =	ssettag $0x0;
	lr =	simm.s32 $0x1  }
0x2: {  	[smem:$0x3F9B] =	sst lr;
	_ =	strace $0xD0000000  }
0x3: {  	_ = 	snop  }
0x4: {  	_ = 	snop  }
0x5: {  	_ = 	snop  }
0x6: {  	_ = 	snop  }
0x7: {  	_ = 	snop  }
__scs_overlays_trampoline_lowered:
0x8: {  	[smem:$0x3FAA] =	sst s0  }
0x9: {  	[smem:$0x3FAB] =	sst s1  }
0xa: {  	[smem:$0x3FAC] =	sst s2  }
0xb: {  	[smem:$0x3FAD] =	sst s3  }
0xc: {  	[smem:$0x3FAE] =	sst s4  }
0xd: {  	[smem:$0x3FAF] =	sst s5  }
0xe: {  	[smem:$0x3FB0] =	sst s6  }
0xf: {  	[smem:$0x3FB1] =	sst s7  }
0x10: {  	[smem:$0x3FB2] =	sst s8  }
0x11: {  	[smem:$0x3FB3] =	sst s9;
	s0 =	simm.s32 @!p0 $0x0  }
0x12: {  	s1 =	sld [smem:$0x3F99];
	s0 =	simm.s32 @p0 $0x1  }
0x13: {  	[smem:$0x3FB4] =	sst s0;
	s0 =	simm.s32 @!p1 $0x0  }
0x14: {  	s2 =	sld [smem:$0x3F98];
	s0 =	simm.s32 @p1 $0x1  }
0x15: {  	[smem:$0x3FB5] =	sst s0;
	s0 =	simm.s32 @!p2 $0x0  }
0x16: {  	s3 =	sld [smem:$0x3FDB];
	s0 =	simm.s32 @p2 $0x1  }
0x17: {  	s4 =	simm.s32 $0x1BF5;
	[smem:$0x3FB7] =	sst s0  }
0x18: {  	s0 =	sld [smem:$0x3F9A];
	_ =	swait.ge [sflag:s4], $0x0  }
0x19: {  	s7 =	sld [smem:$0x3F9B]  }
0x1a: {  	s8 =	sadd.s32 $0xFFFFE003, lr  }
0x1b: {  	s9 =	sadd.s32 $0xFFFFFEF7, lr;
	s5 =	simm.s32 $0xFFFFFFFF;
	p2 =	slt.u32 s8, $0xFFFFF086  }
0x1c: {  	p1 =	slt.u32 s9, $0xF7A;
	s5 =	simm.s32 @!p2 $0x0  }
0x1d: {  	s5 =	simm.s32 @p1 $0x1;
	p0 =	seq.s32 s7, s2  }
0x1e: {  	s7 =	smul.u32 @!p0 $0xF7A, s2;
	p2 =	seq.s32 @!p0 s5, $0x0  }
0x1f: {  	s9 =	smul.u32 $0xF7A, s1;
	s8 =	simm.s32 @!p0 $0x1BF5;
	p2 =	por !p2, p0  }
0x20: {  	[sflag:s8] =	ssyncset.s32 @!p0 $0xFFFFF086;
	s6 =	sadd.s32 @!p0 s3, s7;
	s7 =	simm.s32 @!p0 $0x108  }
0x21: {  	s3 =	sadd.s32 s3, s9;
	s6 =	sadd.s32 @!p0 $0x88, s6;
	s7 =	simm.s32 @p2 $0x1082  }
0x22: {  	[simem:s7], [sflag:s8] =	dma.local @!p0 [hbm:s6], $0xF7A  }
0x23: {  	s9 =	sor.u32 $0xD0000000, s2;
	s6 =	simm.s32 $0x108;
	_ =	swait.ge @!p0 [sflag:s8], $0x0  }
0x24: {  	s3 =	sadd.s32 $0x88, s3;
	s6 =	simm.s32 @!p1 $0x1082;
	[sflag:s4] =	ssyncset.s32 $0xFFFFF086  }
0x25: {  	[simem:s6], [sflag:s4] =	dma.local [hbm:s3], $0xF7A  }
0x26: {  	[smem:$0x3F9B] =	sst s1;
	(tag) =	ssettag s2;
	_ =	strace s9  }
0x27: {  	s1 =	sld [smem:$0x3FAB]  }
0x28: {  	s2 =	sld [smem:$0x3FAC]  }
0x29: {  	s4 =	sld [smem:$0x3FAE]  }
0x2a: {  	p0 =	seq.s32 s5, $0x0;
	s5 =	sld [smem:$0x3FAF]  }
0x2b: {  	s6 =	sld [smem:$0x3FB0]  }
0x2c: {  	s7 =	sld [smem:$0x3FB1]  }
0x2d: {  	s3 =	simm.s32 $0x108;
	s8 =	sld [smem:$0x3FB2]  }
0x2e: {  	s3 =	simm.s32 @!p0 $0x1082;
	s9 =	sld [smem:$0x3FB3]  }
0x2f: {  	lr =	sadd.s32 s0, s3;
	s0 =	sld [smem:$0x3FAA]  }
0x30: {  	s3 =	sld [smem:$0x3FAD]  }
0x31: {  	[smem:$0x3FB6] =	sst s10  }
0x32: {  	s10 =	sld [smem:$0x3FB4];
	_ =	sdelay $0x3  }
0x33: {  	p0 =	seq.s32 s10, $0x1;
	s10 =	sld [smem:$0x3FB6];
	_ =	sdelay $0x3  }
0x34: {  	[smem:$0x3FB6] =	sst s10  }
0x35: {  	s10 =	sld [smem:$0x3FB5];
	_ =	sdelay $0x3  }
0x36: {  	p1 =	seq.s32 s10, $0x1;
	s10 =	sld [smem:$0x3FB6];
	_ =	sdelay $0x3  }
0x37: {  	[smem:$0x3FB6] =	sst s10  }
0x38: {  	s10 =	sld [smem:$0x3FB7]  }
0x39: {  	_ = 	snop;
	(pc) =	sbr.ind lr, $3  }
0x3a: {  	_ = 	snop  }
0x3b: {  	_ = 	snop  }
0x3c: {  	p2 =	seq.s32 s10, $0x1;
	s10 =	sld [smem:$0x3FB6]  }
0x3d: {  	_ =	shalt  }
0x3e: {  	_ =	shalt  }
0x3f: {  	_ =	shalt  }
0x40: {  	_ =	shalt  }
0x41: {  	_ =	shalt  }
0x42: {  	_ =	shalt  }
0x43: {  	_ =	shalt  }
0x44: {  	_ =	shalt  }
0x45: {  	_ =	shalt  }
0x46: {  	_ =	shalt  }
0x47: {  	_ =	shalt  }
0x48: {  	_ =	shalt  }
0x49: {  	_ =	shalt  }
0x4a: {  	_ =	shalt  }
0x4b: {  	_ =	shalt  }
0x4c: {  	_ =	shalt  }
0x4d: {  	_ =	shalt  }
0x4e: {  	_ =	shalt  }
0x4f: {  	_ =	shalt  }
0x50: {  	_ =	shalt  }
0x51: {  	_ =	shalt  }
0x52: {  	_ =	shalt  }
0x53: {  	_ =	shalt  }
0x54: {  	_ =	shalt  }
0x55: {  	_ =	shalt  }
0x56: {  	_ =	shalt  }
0x57: {  	_ =	shalt  }
0x58: {  	_ =	shalt  }
0x59: {  	_ =	shalt  }
0x5a: {  	_ =	shalt  }
0x5b: {  	_ =	shalt  }
0x5c: {  	_ =	shalt  }
0x5d: {  	_ =	shalt  }
0x5e: {  	_ =	shalt  }
0x5f: {  	_ =	shalt  }
0x60: {  	_ =	shalt  }
0x61: {  	_ =	shalt  }
0x62: {  	_ =	shalt  }
0x63: {  	_ =	shalt  }
0x64: {  	_ =	shalt  }
0x65: {  	_ =	shalt  }
0x66: {  	_ =	shalt  }
0x67: {  	_ =	shalt  }
0x68: {  	_ =	shalt  }
0x69: {  	_ =	shalt  }
0x6a: {  	_ =	shalt  }
0x6b: {  	_ =	shalt  }
0x6c: {  	_ =	shalt  }
0x6d: {  	_ =	shalt  }
0x6e: {  	_ =	shalt  }
0x6f: {  	_ =	shalt  }
0x70: {  	_ =	shalt  }
0x71: {  	_ =	shalt  }
0x72: {  	_ =	shalt  }
0x73: {  	_ =	shalt  }
0x74: {  	_ =	shalt  }
0x75: {  	_ =	shalt  }
0x76: {  	_ =	shalt  }
0x77: {  	_ =	shalt  }
0x78: {  	_ =	shalt  }
0x79: {  	_ =	shalt  }
0x7a: {  	_ =	shalt  }
0x7b: {  	_ =	shalt  }
0x7c: {  	_ =	shalt  }
0x7d: {  	_ =	shalt  }
0x7e: {  	_ =	shalt  }
0x7f: {  	_ =	shalt  }
0x80: {  	_ =	shalt  }
0x81: {  	_ =	shalt  }
0x82: {  	_ =	shalt  }
0x83: {  	_ =	shalt  }
0x84: {  	_ =	shalt  }
0x85: {  	_ =	shalt  }
0x86: {  	_ =	shalt  }
0x87: {  	_ =	shalt  }
.Lfunc_end0:
.L_simem_size_0:
called_computation_lowered:
.L_overlay_start_0:
0x88: {  	s2 =	sld [smem:$0x3FD9]  }
0x89: {  	s3 =	sld [smem:$0x3FFE];
	_ =	sdelay $0x1  }
0x8a: {  	s1 =	srdreg.scid  }
0x8b: {  	s0 =	sand.u32 $0x1, s1  }
0x8c: {  	s17 =	sshll.u32 s0, $0xA;
	s2 =	sadd.s32 s3, s2  }
0x8d: {  	s2 =	sadd.s32 s2, s17  }
0x8e: {  	[smem:$0x3FC2] =	sst s2  }
0x8f: {  	_ = 	snop  }
0x90: {  	s2 =	sld [smem:$0x3FC8];
	(tm) =	ssettm $0x1  }
0x91: {  	s18 =	sld [smem:$0x3FFB];
	_ =	sdelay $0x3  }
0x92: {  	_ =	strace s18  }
0x93: {  	s3 =	sld [smem:$0x3FFC];
	_ =	sdelay $0x3  }
0x94: {  	_ =	strace s3  }
0x95: {  	s3 =	sld [smem:$0x3FFD];
	_ =	sdelay $0x3  }
0x96: {  	_ =	strace s3  }
0x97: {  	_ =	strace $0x8FFFFFFF  }
0x98: {  	s19 =	sld [smem:$0x3FDB];
	_ =	sdelay $0x1  }
0x99: {  	s4 =	simm.s32 $_scs_section_size  }
0x9a: {  	s5 =	simm.s32 $_size__tile_overlayer_lowered;
	s6 =	simm.s32 $_tile_overlayer_lowered  }
0x9b: {  	s22 =	simm.s32 $0x1BFF;
	s21 =	sshll.u32 s6, $0x1;
	s3 =	sadd.s32 s4, s19  }
0x9c: {  	s7 =	simm.s32 $0x0;
	s20 =	sshll.u32 s5, $0x1;
	s5 =	sadd.s32 s21, s3  }
0x9d: {  	[timem:s7], [sflag:s22] =	dma.local [hbm:s5], s20  }
0x9e: {  	_ =	swait.ge [sflag:s22], s20  }
0x9f: {  	s4 =	ssub.s32 $0x0, s20;
	[sflag:s22] =	ssyncset.done $0x0  }
0xa0: {  	[sflag:s22] =	ssyncadd.s32 s4;
	_ =	sdelay $0x1  }
0xa1: {  	s23 =	simm.s32 $0x1B8B  }
0xa2: {  	_ =	swait.ge [sflag:s23], $0x1  }
0xa3: {  	[sflag:s23] =	ssyncset.done $0x0  }
0xa4: {  	s25 =	simm.s32 $0x1B8E;
	s24 =	sld [smem:$0x3FFE];
	[sflag:s23] =	ssyncadd.s32 $0xFFFFFFFF  }
0xa5: {  	s26 =	simm.s32 $execute0_lowered;
	[smem:$0x3FD2] =	sst s25  }
0xa6: {  	s5 =	sshll.u32 s26, $0x1;
	_ =	strace $0x80000046;
	[dreg:$0x1] =	wrdreg $0xFFFFFFFF  }
0xa7: {  	s28 =	simm.s32 $_size_execute0_lowered;
	s3 =	sadd.s32 s3, s5;
	[dreg:$0x0] =	wrdreg $0x0  }
0xa8: {  	s5 =	sshll.u32 s28, $0x1;
	[dreg:$0x2] =	wrdreg s3  }
0xa9: {  	[dreg:$0x3] =	wrdreg s5  }
0xaa: {  	[dreg:$0x4] =	wrdreg $0xC0  }
0xab: {  	_ =	task [dreg:s7], $0x5FFFF  }
0xac: {  	[dreg:$0x1] =	wrdreg $0xFFFFFFFF  }
0xad: {  	[dreg:$0x0] =	wrdreg $0x60  }
0xae: {  	[dreg:$0x2] =	wrdreg s2  }
0xaf: {  	[dreg:$0x3] =	wrdreg s24  }
0xb0: {  	[dreg:$0x4] =	wrdreg $0x9  }
0xb1: {  	_ =	task.clear_ibuf [dreg:s7], $0x5FFFF;
	_ =	strace $0x90000046  }
0xb2: {  	s29 =	simm.s32 $0x9;
	_ =	strace $0x80000048  }
0xb3: {  	_ =	swait.ge [sflag:s29], $0x1  }
0xb4: {  	[sflag:s29] =	ssyncadd.s32 $0xFFFFFFFF  }
0xb5: {  	_ =	strace $0x90000048  }
0xb6: {  	_ =	sfence  }
0xb7: {  	s30 =	sld [smem:$0x0];
	_ =	sdelay $0x2  }
0xb8: {  	s31 =	sshll.u32 s1, $0xD;
	s1 =	sshrl.u32 s1, $0x2  }
0xb9: {  	s3 =	sand.u32 $0x4000, s31;
	s1 =	sadd.s32 s1, s30  }
0xba: {  	s0 =	sor.u32 s3, s0;
	s1 =	sshll.u32 s1, $0x11  }
0xbb: {  	s0 =	sor.u32 s1, s0  }
0xbc: {  	s0 =	sadd.s32 $0x8F2B, s0  }
0xbd: {  	[sflag:s0] =	ssyncadd.remote.s32 $0x1  }
0xbe: {  	_ =	sfence.sel $0xFFFF  }
0xbf: {  	[dreg:$0x0] =	wrdreg $0xFFFFFFFF;
	(pc) =	sbr.abs _section_cstart, $3  }
0xc0: {  	[dreg:$0x1] =	wrdreg $0xFFFFFFFF  }
0xc1: {  	_ =	task.clear_ibuf [dreg:s7], $0x2FFFF;
	_ =	strace $0x9FFFFFFF  }
0xc2: {  	(tm) =	ssettm $0x7FFFFFFF  }
0xc3: {  	_ =	shalt  }
tec
execute0_lowered:
.L_overlay_start_1:
0x0: {  	(tag) =	ssettag $0x1  }
0x1: {  	s3 =	rddreg [dreg:$0x0]  }
0x2: {  	s4 =	rddreg [dreg:$0x1]  }
0x3: {  	s0 =	rddreg [dreg:$0x2];
	s2 =	simm.s32 $0x0;
	s5 =	srdreg.scid  }
0x4: {  	s1 =	stileid.u32;
	s10 =	simm.s32 $0x8000;
	s11 =	simm.s32 $0xC000  }
0x5: {  	s12 =	simm.s32 $0x1;
	s13 =	simm.s32 $0x2;
	s5 =	sand.u32 $0x1, s5  }
0x6: {  	s14 =	simm.s32 $0x0;
	s6 =	sshll.u32 s1, $0xC;
	s7 =	sshll.u32 s5, $0xB  }
0x7: {  	[smem:$0x7FF] =	sst s2;
	s5 =	ssub.s32 $0x2, s5;
	s6 =	sor.u32 s7, s6  }
0x8: {  	s31 =	sshrl.u32 s5, $0x1;
	s8 =	sadd.s32 s6, s4;
	s6 =	sadd.s32 s6, s3  }
0x9: {  	_ =	strace $0x80000047;
	s9 =	ssub.s32 s5, s31;
	s3 =	sadd.s32 $0x10000, s6  }
0xa: {  	s4 =	sadd.s32 $0x30000, s6;
	s5 =	sadd.s32 $0x50000, s6;
	s6 =	sadd.s32 $0x70000, s6  }
0xb: {  	s7 =	sadd.s32 $0xE00, s8;
	s8 =	smax.u32 s9, $0x1;
	s9 =	simm.s32 $0x4000  }
.LBB2_1:
0xc: {  	[tilespmem:s2], [sflag:$0x1] =	stream.linear.gather [hbm4b:s3+s2], $0x4000, $0x38;
	[tilespmem:$0x10000] =	vst v63  }
0xd: {  	_ = 	snop  }
0xe: {  	[tilespmem:s9], [sflag:$0x1] =	stream.linear.gather [hbm4b:s4+s2], $0x4000, $0x38;
	[tilespmem:$0x10000] =	vst v63  }
0xf: {  	_ = 	snop  }
0x10: {  	[tilespmem:s10], [sflag:$0x1] =	stream.linear.gather [hbm4b:s5+s2], $0x4000, $0x38;
	[tilespmem:$0x10000] =	vst v63  }
0x11: {  	_ = 	snop  }
0x12: {  	[tilespmem:s11], [sflag:$0x1] =	stream.linear.gather [hbm4b:s6+s2], $0x4000, $0x38;
	[tilespmem:$0x10000] =	vst v63  }
0x13: {  	_ =	swait.ge [sflag:s12], $0x4000  }
0x14: {  	[sflag:s12] =	ssyncset.done $0x0  }
0x15: {  	[sflag:s12] =	ssyncadd.s32 $0xFFFFC000  }
0x16: {  	_ =	swait.ge [sflag:s12], $0x4000  }
0x17: {  	[sflag:s12] =	ssyncset.done $0x0  }
0x18: {  	[sflag:s12] =	ssyncadd.s32 $0xFFFFC000  }
0x19: {  	_ =	swait.ge [sflag:s12], $0x4000  }
0x1a: {  	[sflag:s12] =	ssyncset.done $0x0  }
0x1b: {  	[sflag:s12] =	ssyncadd.s32 $0xFFFFC000  }
0x1c: {  	_ =	swait.ge [sflag:s12], $0x4000  }
0x1d: {  	[sflag:s12] =	ssyncset.done $0x0  }
0x1e: {  	s15 =	simm.s32 $0x0;
	s16 =	simm.s32 $0x0;
	[sflag:s12] =	ssyncadd.s32 $0xFFFFC000  }
.LBB2_2:
0x1f: {  	s17 =	sand.u32 $0x70, s16;
	s18 =	sand.u32 $0x1C00, s15  }
0x20: {  	s17 =	sor.u32 s17, s18  }
0x21: {  	v0 =	vld [tilespmem:s17+$0x0]  }
0x22: {  	v1 =	vld [tilespmem:s17+$0x4000]  }
0x23: {  	v2 =	vld [tilespmem:s17+$0x8000]  }
0x24: {  	v3 =	vld [tilespmem:s17+$0xC000]  }
0x25: {  	v4 =	vld [tilespmem:s17+$0x80]  }
0x26: {  	v5 =	vld [tilespmem:s17+$0x4080]  }
0x27: {  	v6 =	vld [tilespmem:s17+$0x8080]  }
0x28: {  	v7 =	vld [tilespmem:s17+$0xC080]  }
0x29: {  	v8 =	vld [tilespmem:s17+$0x100]  }
0x2a: {  	v9 =	vld [tilespmem:s17+$0x4100]  }
0x2b: {  	v10 =	vld [tilespmem:s17+$0x8100]  }
0x2c: {  	v11 =	vld [tilespmem:s17+$0xC100]  }
0x2d: {  	v12 =	vld [tilespmem:s17+$0x180]  }
0x2e: {  	v13 =	vld [tilespmem:s17+$0x4180]  }
0x2f: {  	v14 =	vld [tilespmem:s17+$0x8180]  }
0x30: {  	v15 =	vld [tilespmem:s17+$0xC180]  }
0x31: {  	v16 =	vld [tilespmem:s17+$0x200]  }
0x32: {  	v17 =	vld [tilespmem:s17+$0x4200]  }
0x33: {  	v18 =	vld [tilespmem:s17+$0x8200]  }
0x34: {  	v19 =	vld [tilespmem:s17+$0xC200]  }
0x35: {  	v20 =	vld [tilespmem:s17+$0x280]  }
0x36: {  	v21 =	vld [tilespmem:s17+$0x4280]  }
0x37: {  	v38 =	vld [tilespmem:s17+$0x8280]  }
0x38: {  	v39 =	vld [tilespmem:s17+$0xC280];
	v0 =	vadd.f32 v1, v0  }
0x39: {  	v40 =	vld [tilespmem:s17+$0x300];
	v37 =	vadd.f32 v3, v2;
	v4 =	vadd.f32 v5, v4  }
0x3a: {  	v42 =	vld [tilespmem:s17+$0x4300];
	v41 =	vadd.f32 v7, v6;
	v43 =	vadd.f32 v9, v8  }
0x3b: {  	v45 =	vld [tilespmem:s17+$0x8300];
	v44 =	vadd.f32 v11, v10;
	v46 =	vadd.f32 v13, v12  }
0x3c: {  	v48 =	vld [tilespmem:s17+$0xC300];
	v47 =	vadd.f32 v15, v14;
	v49 =	vadd.f32 v17, v16  }
0x3d: {  	v50 =	vadd.f32 v19, v18;
	v0 =	vadd.f32 v37, v0  }
0x3e: {  	v54 =	vadd.f32 v21, v20;
	v4 =	vadd.f32 v41, v4  }
0x3f: {  	v2 =	vadd.f32 v39, v38;
	v51 =	vadd.f32 v44, v43;
	[tilespmem:s17+$0x0] =	vst v0  }
0x40: {  	v1 =	vadd.f32 v42, v40;
	v52 =	vadd.f32 v47, v46;
	[tilespmem:s17+$0x80] =	vst v4  }
0x41: {  	v55 =	vadd.f32 v48, v45;
	v53 =	vadd.f32 v50, v49;
	[tilespmem:s17+$0x100] =	vst v51  }
0x42: {  	v56 =	vadd.f32 v2, v54;
	[tilespmem:s17+$0x180] =	vst v52  }
0x43: {  	v1 =	vadd.f32 v55, v1;
	[tilespmem:s17+$0x200] =	vst v53  }
0x44: {  	s30 =	sor.u32 s16, s15;
	[tilespmem:s17+$0x280] =	vst v56  }
0x45: {  	s19 =	sor.u32 $0x380, s30;
	[tilespmem:s17+$0x300] =	vst v1  }
0x46: {  	v0 =	vld [tilespmem:s19+$0x0]  }
0x47: {  	v1 =	vld [tilespmem:s19+$0x4000]  }
0x48: {  	v57 =	vld [tilespmem:s19+$0x8000]  }
0x49: {  	v58 =	vld [tilespmem:s19+$0xC000];
	_ =	sdelay $0x4  }
0x4a: {  	v0 =	vadd.f32 v1, v0;
	v59 =	vadd.f32 v58, v57;
	_ =	sdelay $0x1  }
0x4b: {  	v0 =	vadd.f32 v59, v0;
	_ =	sdelay $0x1  }
0x4c: {  	[tilespmem:s19+$0x0] =	vst v0  }
0x4d: {  	v0 =	vld [tilespmem:s17+$0x2000]  }
0x4e: {  	v60 =	vld [tilespmem:s17+$0x6000]  }
0x4f: {  	v61 =	vld [tilespmem:s17+$0xA000]  }
0x50: {  	v62 =	vld [tilespmem:s17+$0xE000]  }
0x51: {  	v63 =	vld [tilespmem:s17+$0x2080]  }
0x52: {  	v24 =	vld [tilespmem:s17+$0x6080]  }
0x53: {  	v25 =	vld [tilespmem:s17+$0xA080]  }
0x54: {  	v26 =	vld [tilespmem:s17+$0xE080]  }
0x55: {  	v27 =	vld [tilespmem:s17+$0x2100]  }
0x56: {  	v28 =	vld [tilespmem:s17+$0x6100]  }
0x57: {  	v29 =	vld [tilespmem:s17+$0xA100]  }
0x58: {  	v30 =	vld [tilespmem:s17+$0xE100]  }
0x59: {  	v31 =	vld [tilespmem:s17+$0x2180]  }
0x5a: {  	v32 =	vld [tilespmem:s17+$0x6180]  }
0x5b: {  	v33 =	vld [tilespmem:s17+$0xA180]  }
0x5c: {  	v34 =	vld [tilespmem:s17+$0xE180]  }
0x5d: {  	v35 =	vld [tilespmem:s17+$0x2200]  }
0x5e: {  	v36 =	vld [tilespmem:s17+$0x6200]  }
0x5f: {  	v37 =	vld [tilespmem:s17+$0xA200]  }
0x60: {  	v38 =	vld [tilespmem:s17+$0xE200]  }
0x61: {  	v39 =	vld [tilespmem:s17+$0x2280]  }
0x62: {  	v40 =	vld [tilespmem:s17+$0x6280]  }
0x63: {  	v42 =	vld [tilespmem:s17+$0xA280]  }
0x64: {  	v43 =	vld [tilespmem:s17+$0xE280];
	v0 =	vadd.f32 v60, v0  }
0x65: {  	v44 =	vld [tilespmem:s17+$0x2300];
	v41 =	vadd.f32 v62, v61;
	v4 =	vadd.f32 v24, v63  }
0x66: {  	v46 =	vld [tilespmem:s17+$0x6300];
	v45 =	vadd.f32 v26, v25;
	v47 =	vadd.f32 v28, v27  }
0x67: {  	v49 =	vld [tilespmem:s17+$0xA300];
	v48 =	vadd.f32 v30, v29;
	v50 =	vadd.f32 v32, v31  }
0x68: {  	v52 =	vld [tilespmem:s17+$0xE300];
	v51 =	vadd.f32 v34, v33;
	v53 =	vadd.f32 v36, v35  }
0x69: {  	v54 =	vadd.f32 v38, v37;
	v0 =	vadd.f32 v41, v0  }
0x6a: {  	v58 =	vadd.f32 v40, v39;
	v4 =	vadd.f32 v45, v4  }
0x6b: {  	v2 =	vadd.f32 v43, v42;
	v55 =	vadd.f32 v48, v47;
	[tilespmem:s17+$0x2000] =	vst v0  }
0x6c: {  	v1 =	vadd.f32 v46, v44;
	v56 =	vadd.f32 v51, v50;
	[tilespmem:s17+$0x2080] =	vst v4  }
0x6d: {  	v59 =	vadd.f32 v52, v49;
	v57 =	vadd.f32 v54, v53;
	[tilespmem:s17+$0x2100] =	vst v55  }
0x6e: {  	v60 =	vadd.f32 v2, v58;
	[tilespmem:s17+$0x2180] =	vst v56  }
0x6f: {  	v1 =	vadd.f32 v59, v1;
	[tilespmem:s17+$0x2200] =	vst v57  }
0x70: {  	[tilespmem:s17+$0x2280] =	vst v60  }
0x71: {  	s31 =	sor.u32 $0x2380, s30;
	[tilespmem:s17+$0x2300] =	vst v1  }
0x72: {  	v0 =	vld [tilespmem:s31+$0x0]  }
0x73: {  	v1 =	vld [tilespmem:s31+$0x4000]  }
0x74: {  	v61 =	vld [tilespmem:s31+$0x8000]  }
0x75: {  	v62 =	vld [tilespmem:s31+$0xC000];
	_ =	sdelay $0x3  }
0x76: {  	p0 =	sne.s32 s16, $0x3F0  }
.Ltmp0:
0x77: {  	v0 =	vadd.f32 v1, v0;
	v63 =	vadd.f32 v62, v61;
	(pc) =	sbr.rel @p0 .LBB2_2-.Ltmp0, $3  }
0x78: {  	_ = 	snop  }
0x79: {  	v0 =	vadd.f32 v63, v0;
	_ =	sdelay $0x1  }
0x7a: {  	s15 =	sadd.s32 $0x80, s15;
	s16 =	sadd.s32 $0x10, s16;
	[tilespmem:s31+$0x0] =	vst v0  }
0x7b: {  	s14 =	sadd.s32 $0x1, s14  }
0x7c: {  	p0 =	sne.s32 s14, s8  }
.Ltmp1:
0x7d: {  	_ = 	snop;
	(pc) =	sbr.rel @p0 .LBB2_1-.Ltmp1, $4  }
0x7e: {  	[hbm4b:s7+s2] =	stream.linear.scatter [tilespmem:s2], [sflag:$0x2], $0x4000, $0x38;
	[tilespmem:$0x10000] =	vst v63  }
0x7f: {  	_ =	swait.ge [sflag:s13], $0x4000  }
0x80: {  	[sflag:s13] =	ssyncset.done $0x0  }
0x81: {  	[sflag:s13] =	ssyncadd.s32 $0xFFFFC000  }
0x82: {  	_ =	sfence.sel $0x180000  }
0x83: {  	[bflag:$0x0] =	sbarrier.arrive $0xFFFF  }
0x84: {  	p0 =	sne.s32 s1, $0x0;
	_ =	strace $0x90000047  }
0x85: {  	s0 =	sadd.s32 @!p0 $0x100000, s0;
	[bflag:$0x2] =	sbarrier.arrive $0xFFFF  }
0x86: {  	[sflag:s0] =	ssyncadd.tile.s32 @!p0 $0x1;
	_ =	shalt  }
.Lfunc_end2:
_tile_overlayer_lowered:
.L_overlay_start_2:
0x87: {  	(tag) =	ssettag $0x2  }
0x88: {  	s0 =	rddreg [dreg:$0x0];
	s2 =	stileid.u32  }
0x89: {  	s1 =	rddreg [dreg:$0x1];
	p0 =	sne.s32 s2, $0x0  }
0x8a: {  	s3 =	rddreg [dreg:$0x2];
	[bflag:$0x3] =	sbarrier.arrive $0xFFFF;
	s2 =	simm.s32 @!p0 $0x1C02  }
0x8b: {  	[timem:s3], [sflag:s2] =	dma.local @!p0 [hbm:s0], s1  }
0x8c: {  	s0 =	simm.s32 @!p0 $0x2  }
0x8d: {  	_ =	swait.ge @!p0 [sflag:s0], s1  }
0x8e: {  	s1 =	ssub.s32 @!p0 $0x0, s1;
	[sflag:s0] =	ssyncset.done @!p0 $0x0  }
0x8f: {  	[sflag:s0] =	ssyncadd.s32 @!p0 s1  }
0x90: {  	[bflag:$0x3] =	sbarrier.arrive $0xFFFF  }
0x91: {  	_ =	shalt  }

</sc_bundles>
